<compile_context>
chip_gen: v7x
topology: tpu7x:2x2x1
jax: 0.10.2.dev20260603
libtpu: 0.0.44.dev20260713+nightly
codegen_flags: <defaults>
</compile_context>

<pallas_src>
import functools

import jax
import jax.numpy as jnp
from jax import lax
from jax.experimental import pallas as pl
from jax.experimental.pallas import tpu as pltpu
from jax.experimental.pallas import tpu_sc as plsc

NC, NS, LANES = 2, 16, 16
NW = NC * NS
C = 128
DEGW = 128


def _sc_mesh():
    return plsc.VectorSubcoreMesh(
        core_axis_name="c", subcore_axis_name="s",
        num_cores=NC, num_subcores=NS)


def _make_deg_kernel(n_chunks_per_tile, acc_rows):
    rpt = acc_rows // NS

    @functools.partial(
        pl.kernel,
        out_type=jax.ShapeDtypeStruct((NC, acc_rows, DEGW), jnp.float32),
        mesh=_sc_mesh(),
        scratch_types=[
            pltpu.VMEM((n_chunks_per_tile, C), jnp.int32),
            pltpu.VMEM((C, DEGW), jnp.float32),
            pltpu.VMEM_SHARED((acc_rows, DEGW), jnp.float32),
        ],
    )
    def deg_kernel(dst_hbm, ones_hbm, zdeg_hbm, deg_out, dst_v, ones_v, deg_sh):
        c = lax.axis_index("c")
        s = lax.axis_index("s")
        wid = s * NC + c
        pltpu.sync_copy(zdeg_hbm, deg_sh.at[pl.ds(s * rpt, rpt)])
        pltpu.sync_copy(dst_hbm.at[pl.ds(wid * n_chunks_per_tile,
                                         n_chunks_per_tile)], dst_v)
        pltpu.sync_copy(ones_hbm, ones_v)
        plsc.subcore_barrier()

        def body(j, carry):
            pltpu.sync_copy(ones_v, deg_sh.at[dst_v.at[j]], add=True)
            return carry
        lax.fori_loop(0, n_chunks_per_tile, body, 0)

        plsc.subcore_barrier()
        pltpu.sync_copy(deg_sh.at[pl.ds(s * rpt, rpt)],
                        deg_out.at[c, pl.ds(s * rpt, rpt)])

    return deg_kernel


NBUF = 2
KP = 8
NP0, NP1 = 19, 1


def _make_agg_kernel(acc_rows, d):
    rpt = acc_rows // NS
    k0, k1 = NP0 * KP, NP1 * KP

    @functools.partial(
        pl.kernel,
        out_type=jax.ShapeDtypeStruct((NC, acc_rows, d), jnp.float32),
        mesh=_sc_mesh(),
        scratch_types=[
            pltpu.VMEM((KP, C), jnp.int32),
            pltpu.VMEM((KP, C), jnp.int32),
        ] + [pltpu.VMEM((C, d), jnp.float32)] * NBUF
          + [pltpu.VMEM_SHARED((acc_rows, d), jnp.float32)]
          + [pltpu.SemaphoreType.DMA] * NBUF,
    )
    def agg_kernel(h_hbm, src_hbm, dst_hbm, zrow_hbm, out_hbm,
                   src_v, dst_v, *rest):
        rows_v = rest[:NBUF]
        acc_sh = rest[NBUF]
        sems = rest[NBUF + 1:]
        c = lax.axis_index("c")
        s = lax.axis_index("s")
        pltpu.sync_copy(zrow_hbm, acc_sh.at[pl.ds(s * rpt, rpt)])
        plsc.subcore_barrier()

        tile_base = jnp.where(c == 0, s * k0, NS * k0 + s * k1)
        n_phases = jnp.where(c == 0, NP0, NP1)

        def phase(p, carry):
            base = tile_base + p * KP
            pltpu.sync_copy(src_hbm.at[pl.ds(base, KP)], src_v)
            pltpu.sync_copy(dst_hbm.at[pl.ds(base, KP)], dst_v)
            for bi in range(NBUF):
                pltpu.async_copy(h_hbm.at[src_v.at[bi]], rows_v[bi],
                                 sems[bi])

            def outer(g, carry2):
                for bi in range(NBUF):
                    j = g * NBUF + bi
                    pltpu.make_async_copy(h_hbm.at[src_v.at[j]],
                                          rows_v[bi], sems[bi]).wait()
                    pltpu.sync_copy(rows_v[bi], acc_sh.at[dst_v.at[j]],
                                    add=True)

                    @pl.when(j + NBUF < KP)
                    def _():
                        pltpu.async_copy(h_hbm.at[src_v.at[j + NBUF]],
                                         rows_v[bi], sems[bi])
                return carry2
            lax.fori_loop(0, KP // NBUF, outer, 0)
            return carry
        lax.fori_loop(0, n_phases, phase, 0)

        plsc.subcore_barrier()
        pltpu.sync_copy(acc_sh.at[pl.ds(s * rpt, rpt)],
                        out_hbm.at[c, pl.ds(s * rpt, rpt)])

    return agg_kernel


def _mm_body(x_ref, w_ref, degp_ref, h_ref, dinv_ref):
    deg = (degp_ref[0] + degp_ref[1])[:, :1] + 1.0
    dv = lax.rsqrt(jnp.maximum(deg, 1.0))
    h = jnp.dot(x_ref[...], w_ref[...], preferred_element_type=jnp.float32)
    h_ref[...] = h * dv
    dinv_ref[...] = dv


def _fin_body(parts_ref, h_ref, dinv_ref, b_ref, o_ref):
    o_ref[...] = ((parts_ref[0] + parts_ref[1] + h_ref[...])
                  * dinv_ref[...] + b_ref[...])


def kernel(x, edge_index, W, b):
    n, d = x.shape
    e = edge_index.shape[1]
    assert d % 128 == 0

    tot_rows = NS * (NP0 + NP1) * KP
    ep = tot_rows * C
    assert ep >= e, "edge list larger than the static chunk layout"
    kch = tot_rows // NW
    assert kch % 8 == 0
    src = edge_index[0]
    dst = edge_index[1]
    pad = ep - e
    srcp = jnp.concatenate([src, jnp.zeros((pad,), jnp.int32)]).reshape(ep // C, C)
    dstp = jnp.concatenate([dst, jnp.full((pad,), n, jnp.int32)]).reshape(ep // C, C)

    rpt = ((-(-(n + 1) // NS)) + 7) // 8 * 8
    acc_rows = rpt * NS

    ones_deg = jnp.ones((C, DEGW), jnp.float32)
    zdeg = jnp.zeros((rpt, DEGW), jnp.float32)
    zrow = jnp.zeros((rpt, d), jnp.float32)

    degp = _make_deg_kernel(kch, acc_rows)(dstp, ones_deg, zdeg)

    r = 2000
    grid = n // r
    assert n % r == 0

    h_t, dinv = pl.pallas_call(
        _mm_body,
        grid=(grid,),
        in_specs=[
            pl.BlockSpec((r, d), lambda i: (i, 0)),
            pl.BlockSpec((d, d), lambda i: (0, 0)),
            pl.BlockSpec((NC, r, DEGW), lambda i: (0, i, 0)),
        ],
        out_specs=[
            pl.BlockSpec((r, d), lambda i: (i, 0)),
            pl.BlockSpec((r, 1), lambda i: (i, 0)),
        ],
        out_shape=[
            jax.ShapeDtypeStruct((n, d), jnp.float32),
            jax.ShapeDtypeStruct((n, 1), jnp.float32),
        ],
    )(x, W, degp)

    parts = _make_agg_kernel(acc_rows, d)(h_t, srcp, dstp, zrow)

    out = pl.pallas_call(
        _fin_body,
        grid=(grid,),
        in_specs=[
            pl.BlockSpec((NC, r, d), lambda i: (0, i, 0)),
            pl.BlockSpec((r, d), lambda i: (i, 0)),
            pl.BlockSpec((r, 1), lambda i: (i, 0)),
            pl.BlockSpec((1, d), lambda i: (0, 0)),
        ],
        out_specs=pl.BlockSpec((r, d), lambda i: (i, 0)),
        out_shape=jax.ShapeDtypeStruct((n, d), jnp.float32),
    )(parts, h_t, dinv, b.reshape(1, d))

    return out

# --- scband reference (transcript-rebuilt; emitter-appended) ---
"""Pipeline reference for scband-gcn-38474317038222 (READ-ONLY COPY).

The authoritative reference and input builder live on the scoring server;
editing this copy changes nothing except your own understanding.
"""

import jax, jax.numpy as jnp
import numpy as np

N = 10000
E = 320000
D = 128

def setup_inputs(seed: int = 0) -> dict:
    key = jax.random.key(seed)
    k1, k2, k3, k4 = jax.random.split(key, 4)
    x = jax.random.normal(k1, (N, D), dtype=jnp.float32)
    edge_index = jax.random.randint(k2, (2, E), 0, N, dtype=jnp.int32)
    W = jax.random.normal(k3, (D, D), dtype=jnp.float32) * 0.05
    b = jnp.zeros((D,), dtype=jnp.float32)
    return {"x": x, "edge_index": edge_index, "W": W, "b": b}

def reference(x, edge_index, W, b):
    # DGL GraphConv with norm='both', after dgl.add_self_loop (as in _add_self_loop_to_batched_graph)
    n = x.shape[0]
    self_loops = jnp.arange(n, dtype=edge_index.dtype)
    src = jnp.concatenate([edge_index[0], self_loops])
    dst = jnp.concatenate([edge_index[1], self_loops])
    # symmetric degree normalization (in-degree after self loops)
    deg = jnp.zeros((n,), dtype=x.dtype).at[dst].add(jnp.ones_like(dst, dtype=x.dtype))
    dinv = jax.lax.rsqrt(jnp.maximum(deg, 1.0))
    # linear transform (right-multiply, matching DGL weight then aggregate for in<=out dims)
    h = x @ W
    # gather messages from src, scale by norm, scatter-add into dst
    norm = (dinv[src] * dinv[dst])[:, None]
    msg = h[src] * norm
    out = jax.ops.segment_sum(msg, dst, num_segments=n)
    out = out + b
    return out

if __name__ == "__main__":
    import jax
    _d = setup_inputs()
    print(jax.jit(kernel)(*tuple(_d.values())))

</pallas_src>

<mosaic_0001>
#map = affine_map<(d0, d1) -> (0, 0)>
#map1 = affine_map<(d0, d1) -> (0, 0, 0)>
module attributes {stable_mosaic.version = 14 : i64} {
  func.func @agg_kernel(%arg0: i32, %arg1: i32, %arg2: memref<10000x128xf32, #tpu.memory_space<hbm>>, %arg3: memref<2560x128xi32, #tpu.memory_space<hbm>>, %arg4: memref<2560x128xi32, #tpu.memory_space<hbm>>, %arg5: memref<632x128xf32, #tpu.memory_space<hbm>>, %arg6: memref<2x10112x128xf32, #tpu.memory_space<hbm>>, %arg7: memref<8x128xi32, #tpu.memory_space<vmem>>, %arg8: memref<8x128xi32, #tpu.memory_space<vmem>>, %arg9: memref<128x128xf32, #tpu.memory_space<vmem>>, %arg10: memref<128x128xf32, #tpu.memory_space<vmem>>, %arg11: memref<10112x128xf32, #tpu.memory_space<vmem_shared>>, %arg12: memref<!tpu.dma_semaphore, #tpu.memory_space<semaphore_mem>>, %arg13: memref<!tpu.dma_semaphore, #tpu.memory_space<semaphore_mem>>) attributes {dimension_semantics = [#tpu.dimension_semantics<core_parallel>, #tpu.dimension_semantics<subcore_parallel>], iteration_bounds = array<i64: 2, 16>, scalar_prefetch = 0 : i64, scratch_operands = 7 : i64, tpu.core_type = #tpu.core_type<sc_vector_subcore>, window_params = [{transform_indices = #map}, {transform_indices = #map}, {transform_indices = #map}, {transform_indices = #map}, {transform_indices = #map1}]} {
    %mul3A = arith.constant 632 : i32
    %mul3A_0 = arith.muli %arg1, %mul3A : i32
    "tpu.region"() ({
      %run_scoped3A = tpu.sem_alloc : memref<!tpu.dma_semaphore, #tpu.memory_space<semaphore_mem>>
      %dma_start3A = arith.constant 0 : i32
      %dma_start3A_25 = tpu.memref_slice %arg11[%mul3A_0, %dma_start3A] : memref<10112x128xf32, #tpu.memory_space<vmem_shared>> -> memref<632x128xf32, #tpu.memory_space<vmem_shared>>
      tpu.enqueue_dma source(%arg5 : memref<632x128xf32, #tpu.memory_space<hbm>>) target(%dma_start3A_25 : memref<632x128xf32, #tpu.memory_space<vmem_shared>>) target_semaphore(%run_scoped3A : memref<!tpu.dma_semaphore, #tpu.memory_space<semaphore_mem>>)
      %dma_wait3A = arith.constant 0 : i32
      %dma_wait3A_26 = tpu.memref_slice %arg11[%mul3A_0, %dma_wait3A] : memref<10112x128xf32, #tpu.memory_space<vmem_shared>> -> memref<632x128xf32, #tpu.memory_space<vmem_shared>>
      tpu.wait_dma2 semaphore(%run_scoped3A : memref<!tpu.dma_semaphore, #tpu.memory_space<semaphore_mem>>) src(%arg5 : memref<632x128xf32, #tpu.memory_space<hbm>>) dst(%dma_wait3A_26 : memref<632x128xf32, #tpu.memory_space<vmem_shared>>)
      tpu.yield
    }) : () -> ()
    %barrier3A = arith.constant 0 : index
    tpu.barrier barrier_id(%barrier3A)
    %eq3A = arith.constant 0 : i32
    %eq3A_1 = arith.cmpi eq, %arg0, %eq3A : i32
    %mul3A_2 = arith.constant 152 : i32
    %mul3A_3 = arith.muli %arg1, %mul3A_2 : i32
    %mul3A_4 = arith.constant 8 : i32
    %mul3A_5 = arith.muli %arg1, %mul3A_4 : i32
    %add3A = arith.constant 2432 : i32
    %add3A_6 = arith.addi %add3A, %mul3A_5 : i32
    %select_n3A = arith.select %eq3A_1, %mul3A_3, %add3A_6 : i32
    %eq3A_7 = arith.constant 0 : i32
    %eq3A_8 = arith.cmpi eq, %arg0, %eq3A_7 : i32
    %jit3A = arith.constant 19 : i32
    %jit3A_9 = arith.constant 1 : i32
    %select_n3A_10 = arith.select %eq3A_8, %jit3A, %jit3A_9 : i32
    %while3A = arith.constant 0 : i32
    %while3A_11 = arith.constant 0 : i32
    %while3A_12 = arith.subi %select_n3A_10, %while3A_11 : i32
    %while3A_13 = arith.addi %while3A_11, %while3A_12 : i32
    %while3A_14 = arith.constant 1 : i32
    %while3A_15 = arith.divsi %while3A_12, %while3A_14 : i32
    %while3A_16 = arith.muli %while3A_15, %while3A_14 : i32
    %while3A_17 = arith.addi %while3A_11, %while3A_16 : i32
    %while3A_18 = arith.constant 1 : i32
    scf.for %while3A_25 = %while3A_11 to %while3A_17 step %while3A_18  : i32 {
      %mul3A_26 = arith.constant 8 : i32
      %mul3A_27 = arith.muli %while3A_25, %mul3A_26 : i32
      %add3A_28 = arith.addi %select_n3A, %mul3A_27 : i32
      "tpu.region"() ({
        %run_scoped3A = tpu.sem_alloc : memref<!tpu.dma_semaphore, #tpu.memory_space<semaphore_mem>>
        %dma_start3A_47 = arith.constant 0 : i32
        %dma_start3A_48 = tpu.memref_slice %arg3[%add3A_28, %dma_start3A_47] : memref<2560x128xi32, #tpu.memory_space<hbm>> -> memref<8x128xi32, #tpu.memory_space<hbm>>
        %dma_start3A_49 = arith.constant 0 : i32
        %dma_start3A_50 = tpu.memref_slice %arg3[%add3A_28, %dma_start3A_49] : memref<2560x128xi32, #tpu.memory_space<hbm>> -> memref<8x128xi32, #tpu.memory_space<hbm>>
        tpu.enqueue_dma source(%dma_start3A_50 : memref<8x128xi32, #tpu.memory_space<hbm>>) target(%arg7 : memref<8x128xi32, #tpu.memory_space<vmem>>) target_semaphore(%run_scoped3A : memref<!tpu.dma_semaphore, #tpu.memory_space<semaphore_mem>>)
        %dma_wait3A = arith.constant 0 : i32
        %dma_wait3A_51 = tpu.memref_slice %arg3[%add3A_28, %dma_wait3A] : memref<2560x128xi32, #tpu.memory_space<hbm>> -> memref<8x128xi32, #tpu.memory_space<hbm>>
        %dma_wait3A_52 = arith.constant 0 : i32
        %dma_wait3A_53 = tpu.memref_slice %arg3[%add3A_28, %dma_wait3A_52] : memref<2560x128xi32, #tpu.memory_space<hbm>> -> memref<8x128xi32, #tpu.memory_space<hbm>>
        tpu.wait_dma2 semaphore(%run_scoped3A : memref<!tpu.dma_semaphore, #tpu.memory_space<semaphore_mem>>) src(%dma_wait3A_53 : memref<8x128xi32, #tpu.memory_space<hbm>>) dst(%arg7 : memref<8x128xi32, #tpu.memory_space<vmem>>)
        tpu.yield
      }) : () -> ()
      "tpu.region"() ({
        %run_scoped3A = tpu.sem_alloc : memref<!tpu.dma_semaphore, #tpu.memory_space<semaphore_mem>>
        %dma_start3A_47 = arith.constant 0 : i32
        %dma_start3A_48 = tpu.memref_slice %arg4[%add3A_28, %dma_start3A_47] : memref<2560x128xi32, #tpu.memory_space<hbm>> -> memref<8x128xi32, #tpu.memory_space<hbm>>
        %dma_start3A_49 = arith.constant 0 : i32
        %dma_start3A_50 = tpu.memref_slice %arg4[%add3A_28, %dma_start3A_49] : memref<2560x128xi32, #tpu.memory_space<hbm>> -> memref<8x128xi32, #tpu.memory_space<hbm>>
        tpu.enqueue_dma source(%dma_start3A_50 : memref<8x128xi32, #tpu.memory_space<hbm>>) target(%arg8 : memref<8x128xi32, #tpu.memory_space<vmem>>) target_semaphore(%run_scoped3A : memref<!tpu.dma_semaphore, #tpu.memory_space<semaphore_mem>>)
        %dma_wait3A = arith.constant 0 : i32
        %dma_wait3A_51 = tpu.memref_slice %arg4[%add3A_28, %dma_wait3A] : memref<2560x128xi32, #tpu.memory_space<hbm>> -> memref<8x128xi32, #tpu.memory_space<hbm>>
        %dma_wait3A_52 = arith.constant 0 : i32
        %dma_wait3A_53 = tpu.memref_slice %arg4[%add3A_28, %dma_wait3A_52] : memref<2560x128xi32, #tpu.memory_space<hbm>> -> memref<8x128xi32, #tpu.memory_space<hbm>>
        tpu.wait_dma2 semaphore(%run_scoped3A : memref<!tpu.dma_semaphore, #tpu.memory_space<semaphore_mem>>) src(%dma_wait3A_53 : memref<8x128xi32, #tpu.memory_space<hbm>>) dst(%arg8 : memref<8x128xi32, #tpu.memory_space<vmem>>)
        tpu.yield
      }) : () -> ()
      %dma_start3A = arith.constant 0 : i32
      %dma_start3A_29 = arith.constant 0 : i32
      %dma_start3A_30 = tpu.memref_slice %arg7[%dma_start3A, %dma_start3A_29] : memref<8x128xi32, #tpu.memory_space<vmem>> -> memref<1x128xi32, #tpu.memory_space<vmem>>
      %dma_start3A_31 = tpu.memref_squeeze %dma_start3A_30 : memref<1x128xi32, #tpu.memory_space<vmem>> -> memref<128xi32, #tpu.memory_space<vmem>>
      %dma_start3A_32 = arith.constant 0 : i32
      %dma_start3A_33 = arith.constant 0 : i32
      %dma_start3A_34 = tpu.memref_slice %arg2[%dma_start3A_32, %dma_start3A_33] : memref<10000x128xf32, #tpu.memory_space<hbm>> -> memref<10000x128xf32, #tpu.memory_space<hbm>>
      tpu.enqueue_indirect_dma source(%dma_start3A_34 : memref<10000x128xf32, #tpu.memory_space<hbm>>) target(%arg9 : memref<128x128xf32, #tpu.memory_space<vmem>>) offsets(%dma_start3A_31 : memref<128xi32, #tpu.memory_space<vmem>>) semaphore(%arg12 : memref<!tpu.dma_semaphore, #tpu.memory_space<semaphore_mem>>)
      %dma_start3A_35 = arith.constant 1 : i32
      %dma_start3A_36 = arith.constant 0 : i32
      %dma_start3A_37 = tpu.memref_slice %arg7[%dma_start3A_35, %dma_start3A_36] : memref<8x128xi32, #tpu.memory_space<vmem>> -> memref<1x128xi32, #tpu.memory_space<vmem>>
      %dma_start3A_38 = tpu.memref_squeeze %dma_start3A_37 : memref<1x128xi32, #tpu.memory_space<vmem>> -> memref<128xi32, #tpu.memory_space<vmem>>
      %dma_start3A_39 = arith.constant 0 : i32
      %dma_start3A_40 = arith.constant 0 : i32
      %dma_start3A_41 = tpu.memref_slice %arg2[%dma_start3A_39, %dma_start3A_40] : memref<10000x128xf32, #tpu.memory_space<hbm>> -> memref<10000x128xf32, #tpu.memory_space<hbm>>
      tpu.enqueue_indirect_dma source(%dma_start3A_41 : memref<10000x128xf32, #tpu.memory_space<hbm>>) target(%arg10 : memref<128x128xf32, #tpu.memory_space<vmem>>) offsets(%dma_start3A_38 : memref<128xi32, #tpu.memory_space<vmem>>) semaphore(%arg13 : memref<!tpu.dma_semaphore, #tpu.memory_space<semaphore_mem>>)
      %scan3A = arith.constant 0 : i32
      %scan3A_42 = arith.constant 0 : i32
      %scan3A_43 = arith.constant 4 : i32
      %scan3A_44 = arith.addi %scan3A_42, %scan3A_43 : i32
      %scan3A_45 = arith.constant 1 : i32
      scf.for %scan3A_47 = %scan3A_42 to %scan3A_44 step %scan3A_45  : i32 {
        %mul3A_48 = arith.constant 2 : i32
        %mul3A_49 = arith.muli %scan3A_47, %mul3A_48 : i32
        %add3A_50 = arith.constant 0 : i32
        %add3A_51 = arith.addi %mul3A_49, %add3A_50 : i32
        %dma_wait3A = arith.constant 0 : i32
        %dma_wait3A_52 = tpu.memref_slice %arg7[%add3A_51, %dma_wait3A] : memref<8x128xi32, #tpu.memory_space<vmem>> -> memref<1x128xi32, #tpu.memory_space<vmem>>
        %dma_wait3A_53 = tpu.memref_squeeze %dma_wait3A_52 : memref<1x128xi32, #tpu.memory_space<vmem>> -> memref<128xi32, #tpu.memory_space<vmem>>
        %dma_wait3A_54 = arith.constant 0 : i32
        %dma_wait3A_55 = arith.constant 0 : i32
        %dma_wait3A_56 = tpu.memref_slice %arg2[%dma_wait3A_54, %dma_wait3A_55] : memref<10000x128xf32, #tpu.memory_space<hbm>> -> memref<10000x128xf32, #tpu.memory_space<hbm>>
        tpu.wait_indirect_dma semaphore(%arg12 : memref<!tpu.dma_semaphore, #tpu.memory_space<semaphore_mem>>) src(%dma_wait3A_56 : memref<10000x128xf32, #tpu.memory_space<hbm>>) dst(%arg9 : memref<128x128xf32, #tpu.memory_space<vmem>>)
        "tpu.region"() ({
          %run_scoped3A = tpu.sem_alloc : memref<!tpu.dma_semaphore, #tpu.memory_space<semaphore_mem>>
          %dma_start3A_78 = arith.constant 0 : i32
          %dma_start3A_79 = tpu.memref_slice %arg8[%add3A_51, %dma_start3A_78] : memref<8x128xi32, #tpu.memory_space<vmem>> -> memref<1x128xi32, #tpu.memory_space<vmem>>
          %dma_start3A_80 = tpu.memref_squeeze %dma_start3A_79 : memref<1x128xi32, #tpu.memory_space<vmem>> -> memref<128xi32, #tpu.memory_space<vmem>>
          %dma_start3A_81 = arith.constant 0 : i32
          %dma_start3A_82 = arith.constant 0 : i32
          %dma_start3A_83 = tpu.memref_slice %arg11[%dma_start3A_81, %dma_start3A_82] : memref<10112x128xf32, #tpu.memory_space<vmem_shared>> -> memref<10112x128xf32, #tpu.memory_space<vmem_shared>>
          tpu.enqueue_indirect_dma source(%arg9 : memref<128x128xf32, #tpu.memory_space<vmem>>) target(%dma_start3A_83 : memref<10112x128xf32, #tpu.memory_space<vmem_shared>>) offsets(%dma_start3A_80 : memref<128xi32, #tpu.memory_space<vmem>>) semaphore(%run_scoped3A : memref<!tpu.dma_semaphore, #tpu.memory_space<semaphore_mem>>) {add = true}
          %dma_wait3A_84 = arith.constant 0 : i32
          %dma_wait3A_85 = tpu.memref_slice %arg8[%add3A_51, %dma_wait3A_84] : memref<8x128xi32, #tpu.memory_space<vmem>> -> memref<1x128xi32, #tpu.memory_space<vmem>>
          %dma_wait3A_86 = tpu.memref_squeeze %dma_wait3A_85 : memref<1x128xi32, #tpu.memory_space<vmem>> -> memref<128xi32, #tpu.memory_space<vmem>>
          %dma_wait3A_87 = arith.constant 0 : i32
          %dma_wait3A_88 = arith.constant 0 : i32
          %dma_wait3A_89 = tpu.memref_slice %arg11[%dma_wait3A_87, %dma_wait3A_88] : memref<10112x128xf32, #tpu.memory_space<vmem_shared>> -> memref<10112x128xf32, #tpu.memory_space<vmem_shared>>
          tpu.wait_indirect_dma semaphore(%run_scoped3A : memref<!tpu.dma_semaphore, #tpu.memory_space<semaphore_mem>>) src(%arg9 : memref<128x128xf32, #tpu.memory_space<vmem>>) dst(%dma_wait3A_89 : memref<10112x128xf32, #tpu.memory_space<vmem_shared>>)
          tpu.yield
        }) : () -> ()
        %add3A_57 = arith.constant 2 : i32
        %add3A_58 = arith.addi %add3A_51, %add3A_57 : i32
        %lt3A = arith.constant 8 : i32
        %lt3A_59 = arith.cmpi slt, %add3A_58, %lt3A : i32
        %convert_element_type3A = arith.extui %lt3A_59 : i1 to i32
        %cond3A = arith.constant 0 : i32
        %cond3A_60 = arith.cmpi ne, %convert_element_type3A, %cond3A : i32
        scf.if %cond3A_60 {
          %add3A_78 = arith.constant 2 : i32
          %add3A_79 = arith.addi %add3A_51, %add3A_78 : i32
          %dma_start3A_80 = arith.constant 0 : i32
          %dma_start3A_81 = tpu.memref_slice %arg7[%add3A_79, %dma_start3A_80] : memref<8x128xi32, #tpu.memory_space<vmem>> -> memref<1x128xi32, #tpu.memory_space<vmem>>
          %dma_start3A_82 = tpu.memref_squeeze %dma_start3A_81 : memref<1x128xi32, #tpu.memory_space<vmem>> -> memref<128xi32, #tpu.memory_space<vmem>>
          %dma_start3A_83 = arith.constant 0 : i32
          %dma_start3A_84 = arith.constant 0 : i32
          %dma_start3A_85 = tpu.memref_slice %arg2[%dma_start3A_83, %dma_start3A_84] : memref<10000x128xf32, #tpu.memory_space<hbm>> -> memref<10000x128xf32, #tpu.memory_space<hbm>>
          tpu.enqueue_indirect_dma source(%dma_start3A_85 : memref<10000x128xf32, #tpu.memory_space<hbm>>) target(%arg9 : memref<128x128xf32, #tpu.memory_space<vmem>>) offsets(%dma_start3A_82 : memref<128xi32, #tpu.memory_space<vmem>>) semaphore(%arg12 : memref<!tpu.dma_semaphore, #tpu.memory_space<semaphore_mem>>)
        } else {
        }
        %mul3A_61 = arith.constant 2 : i32
        %mul3A_62 = arith.muli %scan3A_47, %mul3A_61 : i32
        %add3A_63 = arith.constant 1 : i32
        %add3A_64 = arith.addi %mul3A_62, %add3A_63 : i32
        %dma_wait3A_65 = arith.constant 0 : i32
        %dma_wait3A_66 = tpu.memref_slice %arg7[%add3A_64, %dma_wait3A_65] : memref<8x128xi32, #tpu.memory_space<vmem>> -> memref<1x128xi32, #tpu.memory_space<vmem>>
        %dma_wait3A_67 = tpu.memref_squeeze %dma_wait3A_66 : memref<1x128xi32, #tpu.memory_space<vmem>> -> memref<128xi32, #tpu.memory_space<vmem>>
        %dma_wait3A_68 = arith.constant 0 : i32
        %dma_wait3A_69 = arith.constant 0 : i32
        %dma_wait3A_70 = tpu.memref_slice %arg2[%dma_wait3A_68, %dma_wait3A_69] : memref<10000x128xf32, #tpu.memory_space<hbm>> -> memref<10000x128xf32, #tpu.memory_space<hbm>>
        tpu.wait_indirect_dma semaphore(%arg13 : memref<!tpu.dma_semaphore, #tpu.memory_space<semaphore_mem>>) src(%dma_wait3A_70 : memref<10000x128xf32, #tpu.memory_space<hbm>>) dst(%arg10 : memref<128x128xf32, #tpu.memory_space<vmem>>)
        "tpu.region"() ({
          %run_scoped3A = tpu.sem_alloc : memref<!tpu.dma_semaphore, #tpu.memory_space<semaphore_mem>>
          %dma_start3A_78 = arith.constant 0 : i32
          %dma_start3A_79 = tpu.memref_slice %arg8[%add3A_64, %dma_start3A_78] : memref<8x128xi32, #tpu.memory_space<vmem>> -> memref<1x128xi32, #tpu.memory_space<vmem>>
          %dma_start3A_80 = tpu.memref_squeeze %dma_start3A_79 : memref<1x128xi32, #tpu.memory_space<vmem>> -> memref<128xi32, #tpu.memory_space<vmem>>
          %dma_start3A_81 = arith.constant 0 : i32
          %dma_start3A_82 = arith.constant 0 : i32
          %dma_start3A_83 = tpu.memref_slice %arg11[%dma_start3A_81, %dma_start3A_82] : memref<10112x128xf32, #tpu.memory_space<vmem_shared>> -> memref<10112x128xf32, #tpu.memory_space<vmem_shared>>
          tpu.enqueue_indirect_dma source(%arg10 : memref<128x128xf32, #tpu.memory_space<vmem>>) target(%dma_start3A_83 : memref<10112x128xf32, #tpu.memory_space<vmem_shared>>) offsets(%dma_start3A_80 : memref<128xi32, #tpu.memory_space<vmem>>) semaphore(%run_scoped3A : memref<!tpu.dma_semaphore, #tpu.memory_space<semaphore_mem>>) {add = true}
          %dma_wait3A_84 = arith.constant 0 : i32
          %dma_wait3A_85 = tpu.memref_slice %arg8[%add3A_64, %dma_wait3A_84] : memref<8x128xi32, #tpu.memory_space<vmem>> -> memref<1x128xi32, #tpu.memory_space<vmem>>
          %dma_wait3A_86 = tpu.memref_squeeze %dma_wait3A_85 : memref<1x128xi32, #tpu.memory_space<vmem>> -> memref<128xi32, #tpu.memory_space<vmem>>
          %dma_wait3A_87 = arith.constant 0 : i32
          %dma_wait3A_88 = arith.constant 0 : i32
          %dma_wait3A_89 = tpu.memref_slice %arg11[%dma_wait3A_87, %dma_wait3A_88] : memref<10112x128xf32, #tpu.memory_space<vmem_shared>> -> memref<10112x128xf32, #tpu.memory_space<vmem_shared>>
          tpu.wait_indirect_dma semaphore(%run_scoped3A : memref<!tpu.dma_semaphore, #tpu.memory_space<semaphore_mem>>) src(%arg10 : memref<128x128xf32, #tpu.memory_space<vmem>>) dst(%dma_wait3A_89 : memref<10112x128xf32, #tpu.memory_space<vmem_shared>>)
          tpu.yield
        }) : () -> ()
        %add3A_71 = arith.constant 2 : i32
        %add3A_72 = arith.addi %add3A_64, %add3A_71 : i32
        %lt3A_73 = arith.constant 8 : i32
        %lt3A_74 = arith.cmpi slt, %add3A_72, %lt3A_73 : i32
        %convert_element_type3A_75 = arith.extui %lt3A_74 : i1 to i32
        %cond3A_76 = arith.constant 0 : i32
        %cond3A_77 = arith.cmpi ne, %convert_element_type3A_75, %cond3A_76 : i32
        scf.if %cond3A_77 {
          %add3A_78 = arith.constant 2 : i32
          %add3A_79 = arith.addi %add3A_64, %add3A_78 : i32
          %dma_start3A_80 = arith.constant 0 : i32
          %dma_start3A_81 = tpu.memref_slice %arg7[%add3A_79, %dma_start3A_80] : memref<8x128xi32, #tpu.memory_space<vmem>> -> memref<1x128xi32, #tpu.memory_space<vmem>>
          %dma_start3A_82 = tpu.memref_squeeze %dma_start3A_81 : memref<1x128xi32, #tpu.memory_space<vmem>> -> memref<128xi32, #tpu.memory_space<vmem>>
          %dma_start3A_83 = arith.constant 0 : i32
          %dma_start3A_84 = arith.constant 0 : i32
          %dma_start3A_85 = tpu.memref_slice %arg2[%dma_start3A_83, %dma_start3A_84] : memref<10000x128xf32, #tpu.memory_space<hbm>> -> memref<10000x128xf32, #tpu.memory_space<hbm>>
          tpu.enqueue_indirect_dma source(%dma_start3A_85 : memref<10000x128xf32, #tpu.memory_space<hbm>>) target(%arg10 : memref<128x128xf32, #tpu.memory_space<vmem>>) offsets(%dma_start3A_82 : memref<128xi32, #tpu.memory_space<vmem>>) semaphore(%arg13 : memref<!tpu.dma_semaphore, #tpu.memory_space<semaphore_mem>>)
        } else {
        }
      }
      %scan3A_46 = arith.constant 4 : i32
    }
    %while3A_19 = arith.constant 1 : i32
    scf.for %while3A_25 = %while3A_17 to %while3A_13 step %while3A_19  : i32 {
      %mul3A_26 = arith.constant 8 : i32
      %mul3A_27 = arith.muli %while3A_25, %mul3A_26 : i32
      %add3A_28 = arith.addi %select_n3A, %mul3A_27 : i32
      "tpu.region"() ({
        %run_scoped3A = tpu.sem_alloc : memref<!tpu.dma_semaphore, #tpu.memory_space<semaphore_mem>>
        %dma_start3A_47 = arith.constant 0 : i32
        %dma_start3A_48 = tpu.memref_slice %arg3[%add3A_28, %dma_start3A_47] : memref<2560x128xi32, #tpu.memory_space<hbm>> -> memref<8x128xi32, #tpu.memory_space<hbm>>
        %dma_start3A_49 = arith.constant 0 : i32
        %dma_start3A_50 = tpu.memref_slice %arg3[%add3A_28, %dma_start3A_49] : memref<2560x128xi32, #tpu.memory_space<hbm>> -> memref<8x128xi32, #tpu.memory_space<hbm>>
        tpu.enqueue_dma source(%dma_start3A_50 : memref<8x128xi32, #tpu.memory_space<hbm>>) target(%arg7 : memref<8x128xi32, #tpu.memory_space<vmem>>) target_semaphore(%run_scoped3A : memref<!tpu.dma_semaphore, #tpu.memory_space<semaphore_mem>>)
        %dma_wait3A = arith.constant 0 : i32
        %dma_wait3A_51 = tpu.memref_slice %arg3[%add3A_28, %dma_wait3A] : memref<2560x128xi32, #tpu.memory_space<hbm>> -> memref<8x128xi32, #tpu.memory_space<hbm>>
        %dma_wait3A_52 = arith.constant 0 : i32
        %dma_wait3A_53 = tpu.memref_slice %arg3[%add3A_28, %dma_wait3A_52] : memref<2560x128xi32, #tpu.memory_space<hbm>> -> memref<8x128xi32, #tpu.memory_space<hbm>>
        tpu.wait_dma2 semaphore(%run_scoped3A : memref<!tpu.dma_semaphore, #tpu.memory_space<semaphore_mem>>) src(%dma_wait3A_53 : memref<8x128xi32, #tpu.memory_space<hbm>>) dst(%arg7 : memref<8x128xi32, #tpu.memory_space<vmem>>)
        tpu.yield
      }) : () -> ()
      "tpu.region"() ({
        %run_scoped3A = tpu.sem_alloc : memref<!tpu.dma_semaphore, #tpu.memory_space<semaphore_mem>>
        %dma_start3A_47 = arith.constant 0 : i32
        %dma_start3A_48 = tpu.memref_slice %arg4[%add3A_28, %dma_start3A_47] : memref<2560x128xi32, #tpu.memory_space<hbm>> -> memref<8x128xi32, #tpu.memory_space<hbm>>
        %dma_start3A_49 = arith.constant 0 : i32
        %dma_start3A_50 = tpu.memref_slice %arg4[%add3A_28, %dma_start3A_49] : memref<2560x128xi32, #tpu.memory_space<hbm>> -> memref<8x128xi32, #tpu.memory_space<hbm>>
        tpu.enqueue_dma source(%dma_start3A_50 : memref<8x128xi32, #tpu.memory_space<hbm>>) target(%arg8 : memref<8x128xi32, #tpu.memory_space<vmem>>) target_semaphore(%run_scoped3A : memref<!tpu.dma_semaphore, #tpu.memory_space<semaphore_mem>>)
        %dma_wait3A = arith.constant 0 : i32
        %dma_wait3A_51 = tpu.memref_slice %arg4[%add3A_28, %dma_wait3A] : memref<2560x128xi32, #tpu.memory_space<hbm>> -> memref<8x128xi32, #tpu.memory_space<hbm>>
        %dma_wait3A_52 = arith.constant 0 : i32
        %dma_wait3A_53 = tpu.memref_slice %arg4[%add3A_28, %dma_wait3A_52] : memref<2560x128xi32, #tpu.memory_space<hbm>> -> memref<8x128xi32, #tpu.memory_space<hbm>>
        tpu.wait_dma2 semaphore(%run_scoped3A : memref<!tpu.dma_semaphore, #tpu.memory_space<semaphore_mem>>) src(%dma_wait3A_53 : memref<8x128xi32, #tpu.memory_space<hbm>>) dst(%arg8 : memref<8x128xi32, #tpu.memory_space<vmem>>)
        tpu.yield
      }) : () -> ()
      %dma_start3A = arith.constant 0 : i32
      %dma_start3A_29 = arith.constant 0 : i32
      %dma_start3A_30 = tpu.memref_slice %arg7[%dma_start3A, %dma_start3A_29] : memref<8x128xi32, #tpu.memory_space<vmem>> -> memref<1x128xi32, #tpu.memory_space<vmem>>
      %dma_start3A_31 = tpu.memref_squeeze %dma_start3A_30 : memref<1x128xi32, #tpu.memory_space<vmem>> -> memref<128xi32, #tpu.memory_space<vmem>>
      %dma_start3A_32 = arith.constant 0 : i32
      %dma_start3A_33 = arith.constant 0 : i32
      %dma_start3A_34 = tpu.memref_slice %arg2[%dma_start3A_32, %dma_start3A_33] : memref<10000x128xf32, #tpu.memory_space<hbm>> -> memref<10000x128xf32, #tpu.memory_space<hbm>>
      tpu.enqueue_indirect_dma source(%dma_start3A_34 : memref<10000x128xf32, #tpu.memory_space<hbm>>) target(%arg9 : memref<128x128xf32, #tpu.memory_space<vmem>>) offsets(%dma_start3A_31 : memref<128xi32, #tpu.memory_space<vmem>>) semaphore(%arg12 : memref<!tpu.dma_semaphore, #tpu.memory_space<semaphore_mem>>)
      %dma_start3A_35 = arith.constant 1 : i32
      %dma_start3A_36 = arith.constant 0 : i32
      %dma_start3A_37 = tpu.memref_slice %arg7[%dma_start3A_35, %dma_start3A_36] : memref<8x128xi32, #tpu.memory_space<vmem>> -> memref<1x128xi32, #tpu.memory_space<vmem>>
      %dma_start3A_38 = tpu.memref_squeeze %dma_start3A_37 : memref<1x128xi32, #tpu.memory_space<vmem>> -> memref<128xi32, #tpu.memory_space<vmem>>
      %dma_start3A_39 = arith.constant 0 : i32
      %dma_start3A_40 = arith.constant 0 : i32
      %dma_start3A_41 = tpu.memref_slice %arg2[%dma_start3A_39, %dma_start3A_40] : memref<10000x128xf32, #tpu.memory_space<hbm>> -> memref<10000x128xf32, #tpu.memory_space<hbm>>
      tpu.enqueue_indirect_dma source(%dma_start3A_41 : memref<10000x128xf32, #tpu.memory_space<hbm>>) target(%arg10 : memref<128x128xf32, #tpu.memory_space<vmem>>) offsets(%dma_start3A_38 : memref<128xi32, #tpu.memory_space<vmem>>) semaphore(%arg13 : memref<!tpu.dma_semaphore, #tpu.memory_space<semaphore_mem>>)
      %scan3A = arith.constant 0 : i32
      %scan3A_42 = arith.constant 0 : i32
      %scan3A_43 = arith.constant 4 : i32
      %scan3A_44 = arith.addi %scan3A_42, %scan3A_43 : i32
      %scan3A_45 = arith.constant 1 : i32
      scf.for %scan3A_47 = %scan3A_42 to %scan3A_44 step %scan3A_45  : i32 {
        %mul3A_48 = arith.constant 2 : i32
        %mul3A_49 = arith.muli %scan3A_47, %mul3A_48 : i32
        %add3A_50 = arith.constant 0 : i32
        %add3A_51 = arith.addi %mul3A_49, %add3A_50 : i32
        %dma_wait3A = arith.constant 0 : i32
        %dma_wait3A_52 = tpu.memref_slice %arg7[%add3A_51, %dma_wait3A] : memref<8x128xi32, #tpu.memory_space<vmem>> -> memref<1x128xi32, #tpu.memory_space<vmem>>
        %dma_wait3A_53 = tpu.memref_squeeze %dma_wait3A_52 : memref<1x128xi32, #tpu.memory_space<vmem>> -> memref<128xi32, #tpu.memory_space<vmem>>
        %dma_wait3A_54 = arith.constant 0 : i32
        %dma_wait3A_55 = arith.constant 0 : i32
        %dma_wait3A_56 = tpu.memref_slice %arg2[%dma_wait3A_54, %dma_wait3A_55] : memref<10000x128xf32, #tpu.memory_space<hbm>> -> memref<10000x128xf32, #tpu.memory_space<hbm>>
        tpu.wait_indirect_dma semaphore(%arg12 : memref<!tpu.dma_semaphore, #tpu.memory_space<semaphore_mem>>) src(%dma_wait3A_56 : memref<10000x128xf32, #tpu.memory_space<hbm>>) dst(%arg9 : memref<128x128xf32, #tpu.memory_space<vmem>>)
        "tpu.region"() ({
          %run_scoped3A = tpu.sem_alloc : memref<!tpu.dma_semaphore, #tpu.memory_space<semaphore_mem>>
          %dma_start3A_78 = arith.constant 0 : i32
          %dma_start3A_79 = tpu.memref_slice %arg8[%add3A_51, %dma_start3A_78] : memref<8x128xi32, #tpu.memory_space<vmem>> -> memref<1x128xi32, #tpu.memory_space<vmem>>
          %dma_start3A_80 = tpu.memref_squeeze %dma_start3A_79 : memref<1x128xi32, #tpu.memory_space<vmem>> -> memref<128xi32, #tpu.memory_space<vmem>>
          %dma_start3A_81 = arith.constant 0 : i32
          %dma_start3A_82 = arith.constant 0 : i32
          %dma_start3A_83 = tpu.memref_slice %arg11[%dma_start3A_81, %dma_start3A_82] : memref<10112x128xf32, #tpu.memory_space<vmem_shared>> -> memref<10112x128xf32, #tpu.memory_space<vmem_shared>>
          tpu.enqueue_indirect_dma source(%arg9 : memref<128x128xf32, #tpu.memory_space<vmem>>) target(%dma_start3A_83 : memref<10112x128xf32, #tpu.memory_space<vmem_shared>>) offsets(%dma_start3A_80 : memref<128xi32, #tpu.memory_space<vmem>>) semaphore(%run_scoped3A : memref<!tpu.dma_semaphore, #tpu.memory_space<semaphore_mem>>) {add = true}
          %dma_wait3A_84 = arith.constant 0 : i32
          %dma_wait3A_85 = tpu.memref_slice %arg8[%add3A_51, %dma_wait3A_84] : memref<8x128xi32, #tpu.memory_space<vmem>> -> memref<1x128xi32, #tpu.memory_space<vmem>>
          %dma_wait3A_86 = tpu.memref_squeeze %dma_wait3A_85 : memref<1x128xi32, #tpu.memory_space<vmem>> -> memref<128xi32, #tpu.memory_space<vmem>>
          %dma_wait3A_87 = arith.constant 0 : i32
          %dma_wait3A_88 = arith.constant 0 : i32
          %dma_wait3A_89 = tpu.memref_slice %arg11[%dma_wait3A_87, %dma_wait3A_88] : memref<10112x128xf32, #tpu.memory_space<vmem_shared>> -> memref<10112x128xf32, #tpu.memory_space<vmem_shared>>
          tpu.wait_indirect_dma semaphore(%run_scoped3A : memref<!tpu.dma_semaphore, #tpu.memory_space<semaphore_mem>>) src(%arg9 : memref<128x128xf32, #tpu.memory_space<vmem>>) dst(%dma_wait3A_89 : memref<10112x128xf32, #tpu.memory_space<vmem_shared>>)
          tpu.yield
        }) : () -> ()
        %add3A_57 = arith.constant 2 : i32
        %add3A_58 = arith.addi %add3A_51, %add3A_57 : i32
        %lt3A = arith.constant 8 : i32
        %lt3A_59 = arith.cmpi slt, %add3A_58, %lt3A : i32
        %convert_element_type3A = arith.extui %lt3A_59 : i1 to i32
        %cond3A = arith.constant 0 : i32
        %cond3A_60 = arith.cmpi ne, %convert_element_type3A, %cond3A : i32
        scf.if %cond3A_60 {
          %add3A_78 = arith.constant 2 : i32
          %add3A_79 = arith.addi %add3A_51, %add3A_78 : i32
          %dma_start3A_80 = arith.constant 0 : i32
          %dma_start3A_81 = tpu.memref_slice %arg7[%add3A_79, %dma_start3A_80] : memref<8x128xi32, #tpu.memory_space<vmem>> -> memref<1x128xi32, #tpu.memory_space<vmem>>
          %dma_start3A_82 = tpu.memref_squeeze %dma_start3A_81 : memref<1x128xi32, #tpu.memory_space<vmem>> -> memref<128xi32, #tpu.memory_space<vmem>>
          %dma_start3A_83 = arith.constant 0 : i32
          %dma_start3A_84 = arith.constant 0 : i32
          %dma_start3A_85 = tpu.memref_slice %arg2[%dma_start3A_83, %dma_start3A_84] : memref<10000x128xf32, #tpu.memory_space<hbm>> -> memref<10000x128xf32, #tpu.memory_space<hbm>>
          tpu.enqueue_indirect_dma source(%dma_start3A_85 : memref<10000x128xf32, #tpu.memory_space<hbm>>) target(%arg9 : memref<128x128xf32, #tpu.memory_space<vmem>>) offsets(%dma_start3A_82 : memref<128xi32, #tpu.memory_space<vmem>>) semaphore(%arg12 : memref<!tpu.dma_semaphore, #tpu.memory_space<semaphore_mem>>)
        } else {
        }
        %mul3A_61 = arith.constant 2 : i32
        %mul3A_62 = arith.muli %scan3A_47, %mul3A_61 : i32
        %add3A_63 = arith.constant 1 : i32
        %add3A_64 = arith.addi %mul3A_62, %add3A_63 : i32
        %dma_wait3A_65 = arith.constant 0 : i32
        %dma_wait3A_66 = tpu.memref_slice %arg7[%add3A_64, %dma_wait3A_65] : memref<8x128xi32, #tpu.memory_space<vmem>> -> memref<1x128xi32, #tpu.memory_space<vmem>>
        %dma_wait3A_67 = tpu.memref_squeeze %dma_wait3A_66 : memref<1x128xi32, #tpu.memory_space<vmem>> -> memref<128xi32, #tpu.memory_space<vmem>>
        %dma_wait3A_68 = arith.constant 0 : i32
        %dma_wait3A_69 = arith.constant 0 : i32
        %dma_wait3A_70 = tpu.memref_slice %arg2[%dma_wait3A_68, %dma_wait3A_69] : memref<10000x128xf32, #tpu.memory_space<hbm>> -> memref<10000x128xf32, #tpu.memory_space<hbm>>
        tpu.wait_indirect_dma semaphore(%arg13 : memref<!tpu.dma_semaphore, #tpu.memory_space<semaphore_mem>>) src(%dma_wait3A_70 : memref<10000x128xf32, #tpu.memory_space<hbm>>) dst(%arg10 : memref<128x128xf32, #tpu.memory_space<vmem>>)
        "tpu.region"() ({
          %run_scoped3A = tpu.sem_alloc : memref<!tpu.dma_semaphore, #tpu.memory_space<semaphore_mem>>
          %dma_start3A_78 = arith.constant 0 : i32
          %dma_start3A_79 = tpu.memref_slice %arg8[%add3A_64, %dma_start3A_78] : memref<8x128xi32, #tpu.memory_space<vmem>> -> memref<1x128xi32, #tpu.memory_space<vmem>>
          %dma_start3A_80 = tpu.memref_squeeze %dma_start3A_79 : memref<1x128xi32, #tpu.memory_space<vmem>> -> memref<128xi32, #tpu.memory_space<vmem>>
          %dma_start3A_81 = arith.constant 0 : i32
          %dma_start3A_82 = arith.constant 0 : i32
          %dma_start3A_83 = tpu.memref_slice %arg11[%dma_start3A_81, %dma_start3A_82] : memref<10112x128xf32, #tpu.memory_space<vmem_shared>> -> memref<10112x128xf32, #tpu.memory_space<vmem_shared>>
          tpu.enqueue_indirect_dma source(%arg10 : memref<128x128xf32, #tpu.memory_space<vmem>>) target(%dma_start3A_83 : memref<10112x128xf32, #tpu.memory_space<vmem_shared>>) offsets(%dma_start3A_80 : memref<128xi32, #tpu.memory_space<vmem>>) semaphore(%run_scoped3A : memref<!tpu.dma_semaphore, #tpu.memory_space<semaphore_mem>>) {add = true}
          %dma_wait3A_84 = arith.constant 0 : i32
          %dma_wait3A_85 = tpu.memref_slice %arg8[%add3A_64, %dma_wait3A_84] : memref<8x128xi32, #tpu.memory_space<vmem>> -> memref<1x128xi32, #tpu.memory_space<vmem>>
          %dma_wait3A_86 = tpu.memref_squeeze %dma_wait3A_85 : memref<1x128xi32, #tpu.memory_space<vmem>> -> memref<128xi32, #tpu.memory_space<vmem>>
          %dma_wait3A_87 = arith.constant 0 : i32
          %dma_wait3A_88 = arith.constant 0 : i32
          %dma_wait3A_89 = tpu.memref_slice %arg11[%dma_wait3A_87, %dma_wait3A_88] : memref<10112x128xf32, #tpu.memory_space<vmem_shared>> -> memref<10112x128xf32, #tpu.memory_space<vmem_shared>>
          tpu.wait_indirect_dma semaphore(%run_scoped3A : memref<!tpu.dma_semaphore, #tpu.memory_space<semaphore_mem>>) src(%arg10 : memref<128x128xf32, #tpu.memory_space<vmem>>) dst(%dma_wait3A_89 : memref<10112x128xf32, #tpu.memory_space<vmem_shared>>)
          tpu.yield
        }) : () -> ()
        %add3A_71 = arith.constant 2 : i32
        %add3A_72 = arith.addi %add3A_64, %add3A_71 : i32
        %lt3A_73 = arith.constant 8 : i32
        %lt3A_74 = arith.cmpi slt, %add3A_72, %lt3A_73 : i32
        %convert_element_type3A_75 = arith.extui %lt3A_74 : i1 to i32
        %cond3A_76 = arith.constant 0 : i32
        %cond3A_77 = arith.cmpi ne, %convert_element_type3A_75, %cond3A_76 : i32
        scf.if %cond3A_77 {
          %add3A_78 = arith.constant 2 : i32
          %add3A_79 = arith.addi %add3A_64, %add3A_78 : i32
          %dma_start3A_80 = arith.constant 0 : i32
          %dma_start3A_81 = tpu.memref_slice %arg7[%add3A_79, %dma_start3A_80] : memref<8x128xi32, #tpu.memory_space<vmem>> -> memref<1x128xi32, #tpu.memory_space<vmem>>
          %dma_start3A_82 = tpu.memref_squeeze %dma_start3A_81 : memref<1x128xi32, #tpu.memory_space<vmem>> -> memref<128xi32, #tpu.memory_space<vmem>>
          %dma_start3A_83 = arith.constant 0 : i32
          %dma_start3A_84 = arith.constant 0 : i32
          %dma_start3A_85 = tpu.memref_slice %arg2[%dma_start3A_83, %dma_start3A_84] : memref<10000x128xf32, #tpu.memory_space<hbm>> -> memref<10000x128xf32, #tpu.memory_space<hbm>>
          tpu.enqueue_indirect_dma source(%dma_start3A_85 : memref<10000x128xf32, #tpu.memory_space<hbm>>) target(%arg10 : memref<128x128xf32, #tpu.memory_space<vmem>>) offsets(%dma_start3A_82 : memref<128xi32, #tpu.memory_space<vmem>>) semaphore(%arg13 : memref<!tpu.dma_semaphore, #tpu.memory_space<semaphore_mem>>)
        } else {
        }
      }
      %scan3A_46 = arith.constant 4 : i32
    }
    %barrier3A_20 = arith.constant 0 : index
    tpu.barrier barrier_id(%barrier3A_20)
    %mul3A_21 = arith.constant 632 : i32
    %mul3A_22 = arith.muli %arg1, %mul3A_21 : i32
    %mul3A_23 = arith.constant 632 : i32
    %mul3A_24 = arith.muli %arg1, %mul3A_23 : i32
    "tpu.region"() ({
      %run_scoped3A = tpu.sem_alloc : memref<!tpu.dma_semaphore, #tpu.memory_space<semaphore_mem>>
      %dma_start3A = arith.constant 0 : i32
      %dma_start3A_25 = tpu.memref_slice %arg6[%arg0, %mul3A_24, %dma_start3A] : memref<2x10112x128xf32, #tpu.memory_space<hbm>> -> memref<1x632x128xf32, #tpu.memory_space<hbm>>
      %dma_start3A_26 = tpu.memref_squeeze %dma_start3A_25 : memref<1x632x128xf32, #tpu.memory_space<hbm>> -> memref<632x128xf32, #tpu.memory_space<hbm>>
      %dma_start3A_27 = arith.constant 0 : i32
      %dma_start3A_28 = tpu.memref_slice %arg11[%mul3A_22, %dma_start3A_27] : memref<10112x128xf32, #tpu.memory_space<vmem_shared>> -> memref<632x128xf32, #tpu.memory_space<vmem_shared>>
      tpu.enqueue_dma source(%dma_start3A_28 : memref<632x128xf32, #tpu.memory_space<vmem_shared>>) target(%dma_start3A_26 : memref<632x128xf32, #tpu.memory_space<hbm>>) target_semaphore(%run_scoped3A : memref<!tpu.dma_semaphore, #tpu.memory_space<semaphore_mem>>)
      %dma_wait3A = arith.constant 0 : i32
      %dma_wait3A_29 = tpu.memref_slice %arg6[%arg0, %mul3A_24, %dma_wait3A] : memref<2x10112x128xf32, #tpu.memory_space<hbm>> -> memref<1x632x128xf32, #tpu.memory_space<hbm>>
      %dma_wait3A_30 = tpu.memref_squeeze %dma_wait3A_29 : memref<1x632x128xf32, #tpu.memory_space<hbm>> -> memref<632x128xf32, #tpu.memory_space<hbm>>
      %dma_wait3A_31 = arith.constant 0 : i32
      %dma_wait3A_32 = tpu.memref_slice %arg11[%mul3A_22, %dma_wait3A_31] : memref<10112x128xf32, #tpu.memory_space<vmem_shared>> -> memref<632x128xf32, #tpu.memory_space<vmem_shared>>
      tpu.wait_dma2 semaphore(%run_scoped3A : memref<!tpu.dma_semaphore, #tpu.memory_space<semaphore_mem>>) src(%dma_wait3A_32 : memref<632x128xf32, #tpu.memory_space<vmem_shared>>) dst(%dma_wait3A_30 : memref<632x128xf32, #tpu.memory_space<hbm>>)
      tpu.yield
    }) : () -> ()
    return
  }
}

#map = affine_map<(d0, d1) -> (0, 0)>
#map1 = affine_map<(d0, d1) -> (0, 0, 0)>
module attributes {stable_mosaic.version = 14 : i64} {
  func.func @deg_kernel(%arg0: i32, %arg1: i32, %arg2: memref<2560x128xi32, #tpu.memory_space<hbm>>, %arg3: memref<128x128xf32, #tpu.memory_space<hbm>>, %arg4: memref<632x128xf32, #tpu.memory_space<hbm>>, %arg5: memref<2x10112x128xf32, #tpu.memory_space<hbm>>, %arg6: memref<80x128xi32, #tpu.memory_space<vmem>>, %arg7: memref<128x128xf32, #tpu.memory_space<vmem>>, %arg8: memref<10112x128xf32, #tpu.memory_space<vmem_shared>>) attributes {dimension_semantics = [#tpu.dimension_semantics<core_parallel>, #tpu.dimension_semantics<subcore_parallel>], iteration_bounds = array<i64: 2, 16>, scalar_prefetch = 0 : i64, scratch_operands = 3 : i64, tpu.core_type = #tpu.core_type<sc_vector_subcore>, window_params = [{transform_indices = #map}, {transform_indices = #map}, {transform_indices = #map}, {transform_indices = #map1}]} {
    %mul3A = arith.constant 2 : i32
    %mul3A_0 = arith.muli %arg1, %mul3A : i32
    %add3A = arith.addi %mul3A_0, %arg0 : i32
    %mul3A_1 = arith.constant 632 : i32
    %mul3A_2 = arith.muli %arg1, %mul3A_1 : i32
    "tpu.region"() ({
      %run_scoped3A = tpu.sem_alloc : memref<!tpu.dma_semaphore, #tpu.memory_space<semaphore_mem>>
      %dma_start3A = arith.constant 0 : i32
      %dma_start3A_15 = tpu.memref_slice %arg8[%mul3A_2, %dma_start3A] : memref<10112x128xf32, #tpu.memory_space<vmem_shared>> -> memref<632x128xf32, #tpu.memory_space<vmem_shared>>
      tpu.enqueue_dma source(%arg4 : memref<632x128xf32, #tpu.memory_space<hbm>>) target(%dma_start3A_15 : memref<632x128xf32, #tpu.memory_space<vmem_shared>>) target_semaphore(%run_scoped3A : memref<!tpu.dma_semaphore, #tpu.memory_space<semaphore_mem>>)
      %dma_wait3A = arith.constant 0 : i32
      %dma_wait3A_16 = tpu.memref_slice %arg8[%mul3A_2, %dma_wait3A] : memref<10112x128xf32, #tpu.memory_space<vmem_shared>> -> memref<632x128xf32, #tpu.memory_space<vmem_shared>>
      tpu.wait_dma2 semaphore(%run_scoped3A : memref<!tpu.dma_semaphore, #tpu.memory_space<semaphore_mem>>) src(%arg4 : memref<632x128xf32, #tpu.memory_space<hbm>>) dst(%dma_wait3A_16 : memref<632x128xf32, #tpu.memory_space<vmem_shared>>)
      tpu.yield
    }) : () -> ()
    %mul3A_3 = arith.constant 80 : i32
    %mul3A_4 = arith.muli %add3A, %mul3A_3 : i32
    "tpu.region"() ({
      %run_scoped3A = tpu.sem_alloc : memref<!tpu.dma_semaphore, #tpu.memory_space<semaphore_mem>>
      %dma_start3A = arith.constant 0 : i32
      %dma_start3A_15 = tpu.memref_slice %arg2[%mul3A_4, %dma_start3A] : memref<2560x128xi32, #tpu.memory_space<hbm>> -> memref<80x128xi32, #tpu.memory_space<hbm>>
      %dma_start3A_16 = arith.constant 0 : i32
      %dma_start3A_17 = tpu.memref_slice %arg2[%mul3A_4, %dma_start3A_16] : memref<2560x128xi32, #tpu.memory_space<hbm>> -> memref<80x128xi32, #tpu.memory_space<hbm>>
      tpu.enqueue_dma source(%dma_start3A_17 : memref<80x128xi32, #tpu.memory_space<hbm>>) target(%arg6 : memref<80x128xi32, #tpu.memory_space<vmem>>) target_semaphore(%run_scoped3A : memref<!tpu.dma_semaphore, #tpu.memory_space<semaphore_mem>>)
      %dma_wait3A = arith.constant 0 : i32
      %dma_wait3A_18 = tpu.memref_slice %arg2[%mul3A_4, %dma_wait3A] : memref<2560x128xi32, #tpu.memory_space<hbm>> -> memref<80x128xi32, #tpu.memory_space<hbm>>
      %dma_wait3A_19 = arith.constant 0 : i32
      %dma_wait3A_20 = tpu.memref_slice %arg2[%mul3A_4, %dma_wait3A_19] : memref<2560x128xi32, #tpu.memory_space<hbm>> -> memref<80x128xi32, #tpu.memory_space<hbm>>
      tpu.wait_dma2 semaphore(%run_scoped3A : memref<!tpu.dma_semaphore, #tpu.memory_space<semaphore_mem>>) src(%dma_wait3A_20 : memref<80x128xi32, #tpu.memory_space<hbm>>) dst(%arg6 : memref<80x128xi32, #tpu.memory_space<vmem>>)
      tpu.yield
    }) : () -> ()
    "tpu.region"() ({
      %run_scoped3A = tpu.sem_alloc : memref<!tpu.dma_semaphore, #tpu.memory_space<semaphore_mem>>
      tpu.enqueue_dma source(%arg3 : memref<128x128xf32, #tpu.memory_space<hbm>>) target(%arg7 : memref<128x128xf32, #tpu.memory_space<vmem>>) target_semaphore(%run_scoped3A : memref<!tpu.dma_semaphore, #tpu.memory_space<semaphore_mem>>)
      tpu.wait_dma2 semaphore(%run_scoped3A : memref<!tpu.dma_semaphore, #tpu.memory_space<semaphore_mem>>) src(%arg3 : memref<128x128xf32, #tpu.memory_space<hbm>>) dst(%arg7 : memref<128x128xf32, #tpu.memory_space<vmem>>)
      tpu.yield
    }) : () -> ()
    %barrier3A = arith.constant 0 : index
    tpu.barrier barrier_id(%barrier3A)
    %scan3A = arith.constant 0 : i32
    %scan3A_5 = arith.constant 0 : i32
    %scan3A_6 = arith.constant 80 : i32
    %scan3A_7 = arith.addi %scan3A_5, %scan3A_6 : i32
    %scan3A_8 = arith.constant 1 : i32
    scf.for %scan3A_15 = %scan3A_5 to %scan3A_7 step %scan3A_8  : i32 {
      "tpu.region"() ({
        %run_scoped3A = tpu.sem_alloc : memref<!tpu.dma_semaphore, #tpu.memory_space<semaphore_mem>>
        %dma_start3A = arith.constant 0 : i32
        %dma_start3A_16 = tpu.memref_slice %arg6[%scan3A_15, %dma_start3A] : memref<80x128xi32, #tpu.memory_space<vmem>> -> memref<1x128xi32, #tpu.memory_space<vmem>>
        %dma_start3A_17 = tpu.memref_squeeze %dma_start3A_16 : memref<1x128xi32, #tpu.memory_space<vmem>> -> memref<128xi32, #tpu.memory_space<vmem>>
        %dma_start3A_18 = arith.constant 0 : i32
        %dma_start3A_19 = arith.constant 0 : i32
        %dma_start3A_20 = tpu.memref_slice %arg8[%dma_start3A_18, %dma_start3A_19] : memref<10112x128xf32, #tpu.memory_space<vmem_shared>> -> memref<10112x128xf32, #tpu.memory_space<vmem_shared>>
        tpu.enqueue_indirect_dma source(%arg7 : memref<128x128xf32, #tpu.memory_space<vmem>>) target(%dma_start3A_20 : memref<10112x128xf32, #tpu.memory_space<vmem_shared>>) offsets(%dma_start3A_17 : memref<128xi32, #tpu.memory_space<vmem>>) semaphore(%run_scoped3A : memref<!tpu.dma_semaphore, #tpu.memory_space<semaphore_mem>>) {add = true}
        %dma_wait3A = arith.constant 0 : i32
        %dma_wait3A_21 = tpu.memref_slice %arg6[%scan3A_15, %dma_wait3A] : memref<80x128xi32, #tpu.memory_space<vmem>> -> memref<1x128xi32, #tpu.memory_space<vmem>>
        %dma_wait3A_22 = tpu.memref_squeeze %dma_wait3A_21 : memref<1x128xi32, #tpu.memory_space<vmem>> -> memref<128xi32, #tpu.memory_space<vmem>>
        %dma_wait3A_23 = arith.constant 0 : i32
        %dma_wait3A_24 = arith.constant 0 : i32
        %dma_wait3A_25 = tpu.memref_slice %arg8[%dma_wait3A_23, %dma_wait3A_24] : memref<10112x128xf32, #tpu.memory_space<vmem_shared>> -> memref<10112x128xf32, #tpu.memory_space<vmem_shared>>
        tpu.wait_indirect_dma semaphore(%run_scoped3A : memref<!tpu.dma_semaphore, #tpu.memory_space<semaphore_mem>>) src(%arg7 : memref<128x128xf32, #tpu.memory_space<vmem>>) dst(%dma_wait3A_25 : memref<10112x128xf32, #tpu.memory_space<vmem_shared>>)
        tpu.yield
      }) : () -> ()
    }
    %scan3A_9 = arith.constant 80 : i32
    %barrier3A_10 = arith.constant 0 : index
    tpu.barrier barrier_id(%barrier3A_10)
    %mul3A_11 = arith.constant 632 : i32
    %mul3A_12 = arith.muli %arg1, %mul3A_11 : i32
    %mul3A_13 = arith.constant 632 : i32
    %mul3A_14 = arith.muli %arg1, %mul3A_13 : i32
    "tpu.region"() ({
      %run_scoped3A = tpu.sem_alloc : memref<!tpu.dma_semaphore, #tpu.memory_space<semaphore_mem>>
      %dma_start3A = arith.constant 0 : i32
      %dma_start3A_15 = tpu.memref_slice %arg5[%arg0, %mul3A_14, %dma_start3A] : memref<2x10112x128xf32, #tpu.memory_space<hbm>> -> memref<1x632x128xf32, #tpu.memory_space<hbm>>
      %dma_start3A_16 = tpu.memref_squeeze %dma_start3A_15 : memref<1x632x128xf32, #tpu.memory_space<hbm>> -> memref<632x128xf32, #tpu.memory_space<hbm>>
      %dma_start3A_17 = arith.constant 0 : i32
      %dma_start3A_18 = tpu.memref_slice %arg8[%mul3A_12, %dma_start3A_17] : memref<10112x128xf32, #tpu.memory_space<vmem_shared>> -> memref<632x128xf32, #tpu.memory_space<vmem_shared>>
      tpu.enqueue_dma source(%dma_start3A_18 : memref<632x128xf32, #tpu.memory_space<vmem_shared>>) target(%dma_start3A_16 : memref<632x128xf32, #tpu.memory_space<hbm>>) target_semaphore(%run_scoped3A : memref<!tpu.dma_semaphore, #tpu.memory_space<semaphore_mem>>)
      %dma_wait3A = arith.constant 0 : i32
      %dma_wait3A_19 = tpu.memref_slice %arg5[%arg0, %mul3A_14, %dma_wait3A] : memref<2x10112x128xf32, #tpu.memory_space<hbm>> -> memref<1x632x128xf32, #tpu.memory_space<hbm>>
      %dma_wait3A_20 = tpu.memref_squeeze %dma_wait3A_19 : memref<1x632x128xf32, #tpu.memory_space<hbm>> -> memref<632x128xf32, #tpu.memory_space<hbm>>
      %dma_wait3A_21 = arith.constant 0 : i32
      %dma_wait3A_22 = tpu.memref_slice %arg8[%mul3A_12, %dma_wait3A_21] : memref<10112x128xf32, #tpu.memory_space<vmem_shared>> -> memref<632x128xf32, #tpu.memory_space<vmem_shared>>
      tpu.wait_dma2 semaphore(%run_scoped3A : memref<!tpu.dma_semaphore, #tpu.memory_space<semaphore_mem>>) src(%dma_wait3A_22 : memref<632x128xf32, #tpu.memory_space<vmem_shared>>) dst(%dma_wait3A_20 : memref<632x128xf32, #tpu.memory_space<hbm>>)
      tpu.yield
    }) : () -> ()
    return
  }
}

module attributes {stable_mosaic.version = 14 : i64} {
  func.func @_fin_body(%arg0: i32, %arg1: memref<2x2000x128xf32, #tpu.memory_space<vmem>>, %arg2: memref<2000x128xf32, #tpu.memory_space<vmem>>, %arg3: memref<2000x1xf32, #tpu.memory_space<vmem>>, %arg4: memref<1x128xf32, #tpu.memory_space<vmem>>, %arg5: memref<2000x128xf32, #tpu.memory_space<vmem>>) attributes {dimension_semantics = [#tpu.dimension_semantics<arbitrary>], iteration_bounds = array<i64: 5>, scalar_prefetch = 0 : i64, scratch_operands = 0 : i64, tpu.core_type = #tpu.core_type<tc>, window_params = [{transform_indices = @transform_0, window_bounds = array<i64: 2, 2000, 128>}, {transform_indices = @transform_1, window_bounds = array<i64: 2000, 128>}, {transform_indices = @transform_2, window_bounds = array<i64: 2000, 1>}, {pipeline_mode = #tpu.pipeline_mode<synchronous>, transform_indices = @transform_3, window_bounds = array<i64: 1, 128>}, {transform_indices = @transform_4, window_bounds = array<i64: 2000, 128>}]} {
    %get3A = arith.constant 0 : index
    %get3A_0 = arith.constant 0 : index
    %get3A_1 = arith.constant 0 : index
    %get3A_2 = vector.load %arg1[%get3A, %get3A_0, %get3A_1] : memref<2x2000x128xf32, #tpu.memory_space<vmem>>, vector<1x2000x128xf32>
    %get3A_3 = vector.shape_cast %get3A_2 : vector<1x2000x128xf32> to vector<2000x128xf32>
    %get3A_4 = arith.constant 1 : index
    %get3A_5 = arith.constant 0 : index
    %get3A_6 = arith.constant 0 : index
    %get3A_7 = vector.load %arg1[%get3A_4, %get3A_5, %get3A_6] : memref<2x2000x128xf32, #tpu.memory_space<vmem>>, vector<1x2000x128xf32>
    %get3A_8 = vector.shape_cast %get3A_7 : vector<1x2000x128xf32> to vector<2000x128xf32>
    %add3A = arith.addf %get3A_3, %get3A_8 : vector<2000x128xf32>
    %get3A_9 = arith.constant 0 : index
    %get3A_10 = arith.constant 0 : index
    %get3A_11 = vector.load %arg2[%get3A_9, %get3A_10] : memref<2000x128xf32, #tpu.memory_space<vmem>>, vector<2000x128xf32>
    %add3A_12 = arith.addf %add3A, %get3A_11 : vector<2000x128xf32>
    %get3A_13 = arith.constant 0 : index
    %get3A_14 = arith.constant 0 : index
    %get3A_15 = vector.load %arg3[%get3A_13, %get3A_14] : memref<2000x1xf32, #tpu.memory_space<vmem>>, vector<2000x1xf32>
    %mul3A = vector.broadcast %get3A_15 : vector<2000x1xf32> to vector<2000x128xf32>
    %mul3A_16 = arith.mulf %add3A_12, %mul3A : vector<2000x128xf32>
    %get3A_17 = arith.constant 0 : index
    %get3A_18 = arith.constant 0 : index
    %get3A_19 = vector.load %arg4[%get3A_17, %get3A_18] : memref<1x128xf32, #tpu.memory_space<vmem>>, vector<1x128xf32>
    %add3A_20 = vector.broadcast %get3A_19 : vector<1x128xf32> to vector<2000x128xf32>
    %add3A_21 = arith.addf %mul3A_16, %add3A_20 : vector<2000x128xf32>
    %swap3A = arith.constant 0 : index
    %swap3A_22 = arith.constant 0 : index
    %swap3A_23 = vector.load %arg5[%swap3A, %swap3A_22] : memref<2000x128xf32, #tpu.memory_space<vmem>>, vector<2000x128xf32>
    tpu.vector_store %arg5[%swap3A, %swap3A_22], %add3A_21 {strides = array<i32>} : memref<2000x128xf32, #tpu.memory_space<vmem>>, vector<2000x128xf32>,
    return
  }
  func.func @transform_0(%arg0: i32) -> (i32, i32, i32) {
    %c0_i32 = arith.constant 0 : i32
    %c0_i32_0 = arith.constant 0 : i32
    %c0_i32_1 = arith.constant 0 : i32
    return %c0_i32, %arg0, %c0_i32_0 : i32, i32, i32
  }
  func.func @transform_1(%arg0: i32) -> (i32, i32) {
    %c0_i32 = arith.constant 0 : i32
    %c0_i32_0 = arith.constant 0 : i32
    return %arg0, %c0_i32 : i32, i32
  }
  func.func @transform_2(%arg0: i32) -> (i32, i32) {
    %c0_i32 = arith.constant 0 : i32
    %c0_i32_0 = arith.constant 0 : i32
    return %arg0, %c0_i32 : i32, i32
  }
  func.func @transform_3(%arg0: i32) -> (i32, i32) {
    %c0_i32 = arith.constant 0 : i32
    %c0_i32_0 = arith.constant 0 : i32
    %c0_i32_1 = arith.constant 0 : i32
    return %c0_i32, %c0_i32_0 : i32, i32
  }
  func.func @transform_4(%arg0: i32) -> (i32, i32) {
    %c0_i32 = arith.constant 0 : i32
    %c0_i32_0 = arith.constant 0 : i32
    return %arg0, %c0_i32 : i32, i32
  }
}

module attributes {stable_mosaic.version = 14 : i64} {
  func.func @_mm_body(%arg0: i32, %arg1: memref<2000x128xf32, #tpu.memory_space<vmem>>, %arg2: memref<128x128xf32, #tpu.memory_space<vmem>>, %arg3: memref<2x2000x128xf32, #tpu.memory_space<vmem>>, %arg4: memref<2000x128xf32, #tpu.memory_space<vmem>>, %arg5: memref<2000x1xf32, #tpu.memory_space<vmem>>) attributes {dimension_semantics = [#tpu.dimension_semantics<arbitrary>], iteration_bounds = array<i64: 5>, scalar_prefetch = 0 : i64, scratch_operands = 0 : i64, tpu.core_type = #tpu.core_type<tc>, window_params = [{transform_indices = @transform_0, window_bounds = array<i64: 2000, 128>}, {pipeline_mode = #tpu.pipeline_mode<synchronous>, transform_indices = @transform_1, window_bounds = array<i64: 128, 128>}, {transform_indices = @transform_2, window_bounds = array<i64: 2, 2000, 128>}, {transform_indices = @transform_3, window_bounds = array<i64: 2000, 128>}, {transform_indices = @transform_4, window_bounds = array<i64: 2000, 1>}]} {
    %get3A = arith.constant 0 : index
    %get3A_0 = arith.constant 0 : index
    %get3A_1 = arith.constant 0 : index
    %get3A_2 = vector.load %arg3[%get3A, %get3A_0, %get3A_1] : memref<2x2000x128xf32, #tpu.memory_space<vmem>>, vector<1x2000x128xf32>
    %get3A_3 = vector.shape_cast %get3A_2 : vector<1x2000x128xf32> to vector<2000x128xf32>
    %get3A_4 = arith.constant 1 : index
    %get3A_5 = arith.constant 0 : index
    %get3A_6 = arith.constant 0 : index
    %get3A_7 = vector.load %arg3[%get3A_4, %get3A_5, %get3A_6] : memref<2x2000x128xf32, #tpu.memory_space<vmem>>, vector<1x2000x128xf32>
    %get3A_8 = vector.shape_cast %get3A_7 : vector<1x2000x128xf32> to vector<2000x128xf32>
    %add3A = arith.addf %get3A_3, %get3A_8 : vector<2000x128xf32>
    %slice3A = vector.extract_strided_slice %add3A {offsets = [0, 0], sizes = [2000, 1], strides = [1, 1]} : vector<2000x128xf32> to vector<2000x1xf32>
    %add3A_9 = arith.constant 1.000000e+00 : f32
    %add3A_10 = vector.broadcast %add3A_9 : f32 to vector<2000x1xf32>
    %add3A_11 = arith.addf %slice3A, %add3A_10 : vector<2000x1xf32>
    %max3A = arith.constant 1.000000e+00 : f32
    %max3A_12 = vector.broadcast %max3A : f32 to vector<2000x1xf32>
    %max3A_13 = arith.maximumf %add3A_11, %max3A_12 : vector<2000x1xf32>
    %rsqrt3A = math.rsqrt %max3A_13 : vector<2000x1xf32>
    %get3A_14 = arith.constant 0 : index
    %get3A_15 = arith.constant 0 : index
    %get3A_16 = vector.load %arg1[%get3A_14, %get3A_15] : memref<2000x128xf32, #tpu.memory_space<vmem>>, vector<2000x128xf32>
    %get3A_17 = arith.constant 0 : index
    %get3A_18 = arith.constant 0 : index
    %get3A_19 = vector.load %arg2[%get3A_17, %get3A_18] : memref<128x128xf32, #tpu.memory_space<vmem>>, vector<128x128xf32>
    %dot_general3A = arith.constant dense<0.000000e+00> : vector<2000x128xf32>
    %dot_general3A_20 = tpu.matmul %get3A_16, %get3A_19, %dot_general3A {dimension_numbers = #tpu.dot_dimension_numbers<[1], [0], [0], [1], [0, 0, 1, 1], [], []>, transpose_lhs_hint = false} : vector<2000x128xf32>, vector<128x128xf32>, vector<2000x128xf32> -> vector<2000x128xf32>
    %mul3A = vector.broadcast %rsqrt3A : vector<2000x1xf32> to vector<2000x128xf32>
    %mul3A_21 = arith.mulf %dot_general3A_20, %mul3A : vector<2000x128xf32>
    %swap3A = arith.constant 0 : index
    %swap3A_22 = arith.constant 0 : index
    %swap3A_23 = vector.load %arg4[%swap3A, %swap3A_22] : memref<2000x128xf32, #tpu.memory_space<vmem>>, vector<2000x128xf32>
    tpu.vector_store %arg4[%swap3A, %swap3A_22], %mul3A_21 {strides = array<i32>} : memref<2000x128xf32, #tpu.memory_space<vmem>>, vector<2000x128xf32>,
    %swap3A_24 = arith.constant 0 : index
    %swap3A_25 = arith.constant 0 : index
    %swap3A_26 = vector.load %arg5[%swap3A_24, %swap3A_25] : memref<2000x1xf32, #tpu.memory_space<vmem>>, vector<2000x1xf32>
    tpu.vector_store %arg5[%swap3A_24, %swap3A_25], %rsqrt3A {strides = array<i32>} : memref<2000x1xf32, #tpu.memory_space<vmem>>, vector<2000x1xf32>,
    return
  }
  func.func @transform_0(%arg0: i32) -> (i32, i32) {
    %c0_i32 = arith.constant 0 : i32
    %c0_i32_0 = arith.constant 0 : i32
    return %arg0, %c0_i32 : i32, i32
  }
  func.func @transform_1(%arg0: i32) -> (i32, i32) {
    %c0_i32 = arith.constant 0 : i32
    %c0_i32_0 = arith.constant 0 : i32
    %c0_i32_1 = arith.constant 0 : i32
    return %c0_i32, %c0_i32_0 : i32, i32
  }
  func.func @transform_2(%arg0: i32) -> (i32, i32, i32) {
    %c0_i32 = arith.constant 0 : i32
    %c0_i32_0 = arith.constant 0 : i32
    %c0_i32_1 = arith.constant 0 : i32
    return %c0_i32, %arg0, %c0_i32_0 : i32, i32, i32
  }
  func.func @transform_3(%arg0: i32) -> (i32, i32) {
    %c0_i32 = arith.constant 0 : i32
    %c0_i32_0 = arith.constant 0 : i32
    return %arg0, %c0_i32 : i32, i32
  }
  func.func @transform_4(%arg0: i32) -> (i32, i32) {
    %c0_i32 = arith.constant 0 : i32
    %c0_i32_0 = arith.constant 0 : i32
    return %arg0, %c0_i32 : i32, i32
  }
}

</mosaic_0001>

<sc_bundles>
// kernel: kernel.6.cloned.1.call-start
scs
__scs_entry_jumppad:
0x0: {  	(pc) =	sbr.rel $0x88, $3  }
0x1: {  	(tag) =	ssettag $0x0;
	lr =	simm.s32 $0x1  }
0x2: {  	[smem:$0x3F9D] =	sst lr;
	_ =	strace $0xD0000000  }
0x3: {  	_ = 	snop  }
0x4: {  	_ = 	snop  }
0x5: {  	_ = 	snop  }
0x6: {  	_ = 	snop  }
0x7: {  	_ = 	snop  }
__scs_overlays_trampoline_lowered:
0x8: {  	[smem:$0x3FAC] =	sst s0  }
0x9: {  	[smem:$0x3FAD] =	sst s1  }
0xa: {  	[smem:$0x3FAE] =	sst s2  }
0xb: {  	[smem:$0x3FAF] =	sst s3  }
0xc: {  	[smem:$0x3FB0] =	sst s4  }
0xd: {  	[smem:$0x3FB1] =	sst s5  }
0xe: {  	[smem:$0x3FB2] =	sst s6  }
0xf: {  	[smem:$0x3FB3] =	sst s7  }
0x10: {  	[smem:$0x3FB4] =	sst s8  }
0x11: {  	[smem:$0x3FB5] =	sst s9;
	s0 =	simm.s32 @!p0 $0x0  }
0x12: {  	s1 =	sld [smem:$0x3F9B];
	s0 =	simm.s32 @p0 $0x1  }
0x13: {  	[smem:$0x3FB6] =	sst s0;
	s0 =	simm.s32 @!p1 $0x0  }
0x14: {  	s2 =	sld [smem:$0x3F9A];
	s0 =	simm.s32 @p1 $0x1  }
0x15: {  	[smem:$0x3FB7] =	sst s0;
	s0 =	simm.s32 @!p2 $0x0  }
0x16: {  	s3 =	sld [smem:$0x3FDB];
	s0 =	simm.s32 @p2 $0x1  }
0x17: {  	s4 =	simm.s32 $0x1BF5;
	[smem:$0x3FB9] =	sst s0  }
0x18: {  	s0 =	sld [smem:$0x3F9C];
	_ =	swait.ge [sflag:s4], $0x0  }
0x19: {  	s7 =	sld [smem:$0x3F9D]  }
0x1a: {  	s8 =	sadd.s32 $0xFFFFE003, lr  }
0x1b: {  	s9 =	sadd.s32 $0xFFFFFEF7, lr;
	s5 =	simm.s32 $0xFFFFFFFF;
	p2 =	slt.u32 s8, $0xFFFFF086  }
0x1c: {  	p1 =	slt.u32 s9, $0xF7A;
	s5 =	simm.s32 @!p2 $0x0  }
0x1d: {  	s5 =	simm.s32 @p1 $0x1;
	p0 =	seq.s32 s7, s2  }
0x1e: {  	s7 =	smul.u32 @!p0 $0xF7A, s2;
	p2 =	seq.s32 @!p0 s5, $0x0  }
0x1f: {  	s9 =	smul.u32 $0xF7A, s1;
	s8 =	simm.s32 @!p0 $0x1BF5;
	p2 =	por !p2, p0  }
0x20: {  	[sflag:s8] =	ssyncset.s32 @!p0 $0xFFFFF086;
	s6 =	sadd.s32 @!p0 s3, s7;
	s7 =	simm.s32 @!p0 $0x108  }
0x21: {  	s3 =	sadd.s32 s3, s9;
	s6 =	sadd.s32 @!p0 $0x88, s6;
	s7 =	simm.s32 @p2 $0x1082  }
0x22: {  	[simem:s7], [sflag:s8] =	dma.local @!p0 [hbm:s6], $0xF7A  }
0x23: {  	s9 =	sor.u32 $0xD0000000, s2;
	s6 =	simm.s32 $0x108;
	_ =	swait.ge @!p0 [sflag:s8], $0x0  }
0x24: {  	s3 =	sadd.s32 $0x88, s3;
	s6 =	simm.s32 @!p1 $0x1082;
	[sflag:s4] =	ssyncset.s32 $0xFFFFF086  }
0x25: {  	[simem:s6], [sflag:s4] =	dma.local [hbm:s3], $0xF7A  }
0x26: {  	[smem:$0x3F9D] =	sst s1;
	(tag) =	ssettag s2;
	_ =	strace s9  }
0x27: {  	s1 =	sld [smem:$0x3FAD]  }
0x28: {  	s2 =	sld [smem:$0x3FAE]  }
0x29: {  	s4 =	sld [smem:$0x3FB0]  }
0x2a: {  	p0 =	seq.s32 s5, $0x0;
	s5 =	sld [smem:$0x3FB1]  }
0x2b: {  	s6 =	sld [smem:$0x3FB2]  }
0x2c: {  	s7 =	sld [smem:$0x3FB3]  }
0x2d: {  	s3 =	simm.s32 $0x108;
	s8 =	sld [smem:$0x3FB4]  }
0x2e: {  	s3 =	simm.s32 @!p0 $0x1082;
	s9 =	sld [smem:$0x3FB5]  }
0x2f: {  	lr =	sadd.s32 s0, s3;
	s0 =	sld [smem:$0x3FAC]  }
0x30: {  	s3 =	sld [smem:$0x3FAF]  }
0x31: {  	[smem:$0x3FB8] =	sst s10  }
0x32: {  	s10 =	sld [smem:$0x3FB6];
	_ =	sdelay $0x3  }
0x33: {  	p0 =	seq.s32 s10, $0x1;
	s10 =	sld [smem:$0x3FB8];
	_ =	sdelay $0x3  }
0x34: {  	[smem:$0x3FB8] =	sst s10  }
0x35: {  	s10 =	sld [smem:$0x3FB7];
	_ =	sdelay $0x3  }
0x36: {  	p1 =	seq.s32 s10, $0x1;
	s10 =	sld [smem:$0x3FB8];
	_ =	sdelay $0x3  }
0x37: {  	[smem:$0x3FB8] =	sst s10  }
0x38: {  	s10 =	sld [smem:$0x3FB9]  }
0x39: {  	_ = 	snop;
	(pc) =	sbr.ind lr, $3  }
0x3a: {  	_ = 	snop  }
0x3b: {  	_ = 	snop  }
0x3c: {  	p2 =	seq.s32 s10, $0x1;
	s10 =	sld [smem:$0x3FB8]  }
0x3d: {  	_ =	shalt  }
0x3e: {  	_ =	shalt  }
0x3f: {  	_ =	shalt  }
0x40: {  	_ =	shalt  }
0x41: {  	_ =	shalt  }
0x42: {  	_ =	shalt  }
0x43: {  	_ =	shalt  }
0x44: {  	_ =	shalt  }
0x45: {  	_ =	shalt  }
0x46: {  	_ =	shalt  }
0x47: {  	_ =	shalt  }
0x48: {  	_ =	shalt  }
0x49: {  	_ =	shalt  }
0x4a: {  	_ =	shalt  }
0x4b: {  	_ =	shalt  }
0x4c: {  	_ =	shalt  }
0x4d: {  	_ =	shalt  }
0x4e: {  	_ =	shalt  }
0x4f: {  	_ =	shalt  }
0x50: {  	_ =	shalt  }
0x51: {  	_ =	shalt  }
0x52: {  	_ =	shalt  }
0x53: {  	_ =	shalt  }
0x54: {  	_ =	shalt  }
0x55: {  	_ =	shalt  }
0x56: {  	_ =	shalt  }
0x57: {  	_ =	shalt  }
0x58: {  	_ =	shalt  }
0x59: {  	_ =	shalt  }
0x5a: {  	_ =	shalt  }
0x5b: {  	_ =	shalt  }
0x5c: {  	_ =	shalt  }
0x5d: {  	_ =	shalt  }
0x5e: {  	_ =	shalt  }
0x5f: {  	_ =	shalt  }
0x60: {  	_ =	shalt  }
0x61: {  	_ =	shalt  }
0x62: {  	_ =	shalt  }
0x63: {  	_ =	shalt  }
0x64: {  	_ =	shalt  }
0x65: {  	_ =	shalt  }
0x66: {  	_ =	shalt  }
0x67: {  	_ =	shalt  }
0x68: {  	_ =	shalt  }
0x69: {  	_ =	shalt  }
0x6a: {  	_ =	shalt  }
0x6b: {  	_ =	shalt  }
0x6c: {  	_ =	shalt  }
0x6d: {  	_ =	shalt  }
0x6e: {  	_ =	shalt  }
0x6f: {  	_ =	shalt  }
0x70: {  	_ =	shalt  }
0x71: {  	_ =	shalt  }
0x72: {  	_ =	shalt  }
0x73: {  	_ =	shalt  }
0x74: {  	_ =	shalt  }
0x75: {  	_ =	shalt  }
0x76: {  	_ =	shalt  }
0x77: {  	_ =	shalt  }
0x78: {  	_ =	shalt  }
0x79: {  	_ =	shalt  }
0x7a: {  	_ =	shalt  }
0x7b: {  	_ =	shalt  }
0x7c: {  	_ =	shalt  }
0x7d: {  	_ =	shalt  }
0x7e: {  	_ =	shalt  }
0x7f: {  	_ =	shalt  }
0x80: {  	_ =	shalt  }
0x81: {  	_ =	shalt  }
0x82: {  	_ =	shalt  }
0x83: {  	_ =	shalt  }
0x84: {  	_ =	shalt  }
0x85: {  	_ =	shalt  }
0x86: {  	_ =	shalt  }
0x87: {  	_ =	shalt  }
.Lfunc_end0:
.L_simem_size_0:
called_computation_lowered:
.L_overlay_start_0:
0x88: {  	s2 =	sld [smem:$0x3FD9]  }
0x89: {  	s3 =	sld [smem:$0x3FFE];
	_ =	sdelay $0x1  }
0x8a: {  	s1 =	srdreg.scid  }
0x8b: {  	s0 =	sand.u32 $0x1, s1  }
0x8c: {  	s17 =	sshll.u32 s0, $0xA;
	s2 =	sadd.s32 s3, s2  }
0x8d: {  	s2 =	sadd.s32 s2, s17  }
0x8e: {  	[smem:$0x3FC4] =	sst s2  }
0x8f: {  	_ = 	snop  }
0x90: {  	s2 =	sld [smem:$0x3FD0];
	(tm) =	ssettm $0x1  }
0x91: {  	s18 =	sld [smem:$0x3FFB];
	_ =	sdelay $0x3  }
0x92: {  	_ =	strace s18  }
0x93: {  	s3 =	sld [smem:$0x3FFC];
	_ =	sdelay $0x3  }
0x94: {  	_ =	strace s3  }
0x95: {  	s3 =	sld [smem:$0x3FFD];
	_ =	sdelay $0x3  }
0x96: {  	_ =	strace s3  }
0x97: {  	_ =	strace $0x8FFFFFFF  }
0x98: {  	s19 =	sld [smem:$0x3FDB];
	_ =	sdelay $0x1  }
0x99: {  	s4 =	simm.s32 $_scs_section_size  }
0x9a: {  	s5 =	simm.s32 $_size__tile_overlayer_lowered;
	s6 =	simm.s32 $_tile_overlayer_lowered  }
0x9b: {  	s22 =	simm.s32 $0x1BFF;
	s21 =	sshll.u32 s6, $0x1;
	s3 =	sadd.s32 s4, s19  }
0x9c: {  	s7 =	simm.s32 $0x0;
	s20 =	sshll.u32 s5, $0x1;
	s5 =	sadd.s32 s21, s3  }
0x9d: {  	[timem:s7], [sflag:s22] =	dma.local [hbm:s5], s20  }
0x9e: {  	_ =	swait.ge [sflag:s22], s20  }
0x9f: {  	s4 =	ssub.s32 $0x0, s20;
	[sflag:s22] =	ssyncset.done $0x0  }
0xa0: {  	[sflag:s22] =	ssyncadd.s32 s4;
	_ =	sdelay $0x1  }
0xa1: {  	s23 =	simm.s32 $0x1B8B  }
0xa2: {  	_ =	swait.ge [sflag:s23], $0x1  }
0xa3: {  	[sflag:s23] =	ssyncset.done $0x0  }
0xa4: {  	s25 =	simm.s32 $0x1B8E;
	s24 =	sld [smem:$0x3FFE];
	[sflag:s23] =	ssyncadd.s32 $0xFFFFFFFF  }
0xa5: {  	s26 =	simm.s32 $execute0_lowered;
	[smem:$0x3FD2] =	sst s25  }
0xa6: {  	s5 =	sshll.u32 s26, $0x1;
	_ =	strace $0x80000046;
	[dreg:$0x1] =	wrdreg $0xFFFFFFFF  }
0xa7: {  	s28 =	simm.s32 $_size_execute0_lowered;
	s3 =	sadd.s32 s3, s5;
	[dreg:$0x0] =	wrdreg $0x0  }
0xa8: {  	s5 =	sshll.u32 s28, $0x1;
	[dreg:$0x2] =	wrdreg s3  }
0xa9: {  	[dreg:$0x3] =	wrdreg s5  }
0xaa: {  	[dreg:$0x4] =	wrdreg $0xC0  }
0xab: {  	_ =	task [dreg:s7], $0x5FFFF  }
0xac: {  	[dreg:$0x1] =	wrdreg $0xFFFFFFFF  }
0xad: {  	[dreg:$0x0] =	wrdreg $0x60  }
0xae: {  	[dreg:$0x2] =	wrdreg s24  }
0xaf: {  	[dreg:$0x3] =	wrdreg s2  }
0xb0: {  	[dreg:$0x4] =	wrdreg $0x68000  }
0xb1: {  	[dreg:$0x5] =	wrdreg $0x9  }
0xb2: {  	_ =	task.clear_ibuf [dreg:s7], $0x6FFFF;
	_ =	strace $0x90000046  }
0xb3: {  	s29 =	simm.s32 $0x9;
	_ =	strace $0x80000048  }
0xb4: {  	_ =	swait.ge [sflag:s29], $0x1  }
0xb5: {  	[sflag:s29] =	ssyncadd.s32 $0xFFFFFFFF  }
0xb6: {  	_ =	strace $0x90000048  }
0xb7: {  	_ =	sfence  }
0xb8: {  	s30 =	sld [smem:$0x0];
	_ =	sdelay $0x2  }
0xb9: {  	s31 =	sshll.u32 s1, $0xD;
	s1 =	sshrl.u32 s1, $0x2  }
0xba: {  	s3 =	sand.u32 $0x4000, s31;
	s1 =	sadd.s32 s1, s30  }
0xbb: {  	s0 =	sor.u32 s3, s0;
	s1 =	sshll.u32 s1, $0x11  }
0xbc: {  	s0 =	sor.u32 s1, s0  }
0xbd: {  	s0 =	sadd.s32 $0x8F2B, s0  }
0xbe: {  	[sflag:s0] =	ssyncadd.remote.s32 $0x1  }
0xbf: {  	_ =	sfence.sel $0xFFFF  }
0xc0: {  	[dreg:$0x0] =	wrdreg $0xFFFFFFFF;
	(pc) =	sbr.abs _section_cstart, $3  }
0xc1: {  	[dreg:$0x1] =	wrdreg $0xFFFFFFFF  }
0xc2: {  	_ =	task.clear_ibuf [dreg:s7], $0x2FFFF;
	_ =	strace $0x9FFFFFFF  }
0xc3: {  	(tm) =	ssettm $0x7FFFFFFF  }
tec
execute0_lowered:
.L_overlay_start_1:
0x0: {  	(tag) =	ssettag $0x1  }
0x1: {  	s6 =	rddreg [dreg:$0x0]  }
0x2: {  	s1 =	srdreg.scid;
	s2 =	rddreg [dreg:$0x1]  }
0x3: {  	s0 =	stileid.u32;
	s3 =	rddreg [dreg:$0x2];
	s4 =	simm.s32 $0x0  }
0x4: {  	s13 =	simm.s32 $0x80;
	s14 =	simm.s32 $0x0;
	s9 =	smul.u32 $0x13C00, s0  }
0x5: {  	s7 =	sand.u32 $0x1, s1;
	s28 =	sshll.u32 s0, $0x1;
	s29 =	smul.u32 $0x4F000, s0  }
0x6: {  	[smem:$0x7FF] =	sst s4;
	s1 =	sor.u32 s7, s28;
	s8 =	smul.u32 $0x13C000, s7  }
0x7: {  	s31 =	sshll.u32 s0, $0x6;
	s7 =	ssub.s32 $0x2, s7;
	s5 =	smul.u32 $0x500, s1  }
0x8: {  	s1 =	rddreg [dreg:$0x3];
	_ =	strace $0x80000047;
	s30 =	sshrl.u32 s7, $0x1  }
0x9: {  	s8 =	sadd.s32 s9, s8;
	s9 =	sshrl.u32 s29, $0x2;
	s11 =	ssub.s32 s7, s30  }
0xa: {  	s10 =	sadd.s32 s5, s6;
	s5 =	sadd.s32 $0x15C00, s6;
	s8 =	sshrl.u32 s8, $0x3  }
0xb: {  	s12 =	sadd.s32 s9, s3;
	s9 =	smax.u32 s11, $0x1;
	s11 =	simm.s32 $0x1  }
0xc: {  	s8 =	sadd.s32 s8, s6;
	s6 =	sor.u32 $0x1C01, s31;
	s7 =	sadd.s32 $0xBC00, s10  }
0xd: {  	s10 =	sshrl.u32 s12, $0x3;
	s12 =	simm.s32 $0x2800;
	s8 =	sadd.s32 $0x18400, s8  }
.LBB2_1:
0xe: {  	[spmem:s10], [sflag:s6] =	dma.local [hbm:s5], $0x2780  }
0xf: {  	_ =	swait.ge [sflag:s11], $0x2780  }
0x10: {  	[sflag:s11] =	ssyncset.done $0x0  }
0x11: {  	[sflag:s11] =	ssyncadd.s32 $0xFFFFD880  }
0x12: {  	[tilespmem:s4], [sflag:$0x1] =	stream.linear.gather [hbm4b:s7+s4], $0x2800, $0x38;
	[tilespmem:$0x1A400] =	vst v63  }
0x13: {  	_ =	swait.ge [sflag:s11], $0x2800  }
0x14: {  	[sflag:s11] =	ssyncset.done $0x0  }
0x15: {  	[sflag:s11] =	ssyncadd.s32 $0xFFFFD800  }
0x16: {  	[tilespmem:s12], [sflag:$0x1] =	stream.linear.gather [hbm4b:s2+s4], $0x4000, $0x38;
	[tilespmem:$0x1A400] =	vst v63  }
0x17: {  	_ =	swait.ge [sflag:s11], $0x4000  }
0x18: {  	[sflag:s11] =	ssyncset.done $0x0  }
0x19: {  	[sflag:s11] =	ssyncadd.s32 $0xFFFFC000  }
0x1a: {  	s15 =	simm.s32 $0x0;
	[bflag:$0x0] =	sbarrier.arrive $0xFFFF  }
0x1b: {  	[spmem:s3] =	stream.indirect.scatter.add.f32 [tilespmem:s12], [sflag:$0x1], $0x80, s15, s13, $0xb8;
	[tilespmem:$0x1A400] =	vst v63  }
0x1c: {  	_ =	swait.ge [sflag:s11], $0x4000  }
0x1d: {  	s15 =	simm.s32 $0x200;
	[sflag:s11] =	ssyncset.done $0x0  }
.LBB2_2:
0x1e: {  	s16 =	sshra.s32 s15, $0x2;
	[sflag:s11] =	ssyncadd.s32 $0xFFFFC000;
	p0 =	sne.s32 s15, $0x9E00  }
0x1f: {  	[spmem:s3] =	stream.indirect.scatter.add.f32 [tilespmem:s12], [sflag:$0x1], $0x80, s16, s13, $0xb8;
	[tilespmem:$0x1A400] =	vst v63  }
.Ltmp0:
0x20: {  	_ = 	snop;
	(pc) =	sbr.rel @p0 .LBB2_2-.Ltmp0, $4  }
0x21: {  	_ = 	snop  }
0x22: {  	s15 =	sadd.s32 $0x200, s15  }
0x23: {  	_ =	swait.ge [sflag:s11], $0x4000  }
0x24: {  	[sflag:s11] =	ssyncset.done $0x0  }
0x25: {  	s14 =	sadd.s32 $0x1, s14  }
0x26: {  	[sflag:s11] =	ssyncadd.s32 $0xFFFFC000;
	p0 =	sne.s32 s14, s9  }
.Ltmp1:
0x27: {  	[bflag:$0x0] =	sbarrier.arrive $0xFFFF;
	(pc) =	sbr.rel @p0 .LBB2_1-.Ltmp1, $4  }
0x28: {  	[hbm:s8], [sflag:s6] =	dma.local [spmem:s10], $0x2780  }
0x29: {  	_ =	swait.ge [sflag:s11], $0x2780  }
0x2a: {  	[sflag:s11] =	ssyncset.done $0x0  }
0x2b: {  	[sflag:s11] =	ssyncadd.s32 $0xFFFFD880  }
0x2c: {  	_ =	sfence.sel $0x180000  }
0x2d: {  	[bflag:$0x0] =	sbarrier.arrive $0xFFFF  }
0x2e: {  	p0 =	sne.s32 s0, $0x0;
	_ =	strace $0x90000047  }
0x2f: {  	s0 =	sadd.s32 @!p0 $0x100000, s1;
	[bflag:$0x2] =	sbarrier.arrive $0xFFFF  }
0x30: {  	[sflag:s0] =	ssyncadd.tile.s32 @!p0 $0x1;
	_ =	shalt  }
.Lfunc_end2:
_tile_overlayer_lowered:
.L_overlay_start_2:
0x31: {  	(tag) =	ssettag $0x2  }
0x32: {  	s0 =	rddreg [dreg:$0x0];
	s2 =	stileid.u32  }
0x33: {  	s1 =	rddreg [dreg:$0x1];
	p0 =	sne.s32 s2, $0x0  }
0x34: {  	s3 =	rddreg [dreg:$0x2];
	[bflag:$0x3] =	sbarrier.arrive $0xFFFF;
	s2 =	simm.s32 @!p0 $0x1C01  }
0x35: {  	[timem:s3], [sflag:s2] =	dma.local @!p0 [hbm:s0], s1  }
0x36: {  	s0 =	simm.s32 @!p0 $0x1  }
0x37: {  	_ =	swait.ge @!p0 [sflag:s0], s1  }
0x38: {  	s1 =	ssub.s32 @!p0 $0x0, s1;
	[sflag:s0] =	ssyncset.done @!p0 $0x0  }
0x39: {  	[sflag:s0] =	ssyncadd.s32 @!p0 s1  }
0x3a: {  	[bflag:$0x3] =	sbarrier.arrive $0xFFFF  }
0x3b: {  	_ =	shalt  }

// kernel: kernel.9.cloned.1.call-start
scs
__scs_entry_jumppad:
0x0: {  	(pc) =	sbr.rel $0x88, $3  }
0x1: {  	(tag) =	ssettag $0x0;
	lr =	simm.s32 $0x1  }
0x2: {  	[smem:$0x3F9D] =	sst lr;
	_ =	strace $0xD0000000  }
0x3: {  	_ = 	snop  }
0x4: {  	_ = 	snop  }
0x5: {  	_ = 	snop  }
0x6: {  	_ = 	snop  }
0x7: {  	_ = 	snop  }
__scs_overlays_trampoline_lowered:
0x8: {  	[smem:$0x3FAC] =	sst s0  }
0x9: {  	[smem:$0x3FAD] =	sst s1  }
0xa: {  	[smem:$0x3FAE] =	sst s2  }
0xb: {  	[smem:$0x3FAF] =	sst s3  }
0xc: {  	[smem:$0x3FB0] =	sst s4  }
0xd: {  	[smem:$0x3FB1] =	sst s5  }
0xe: {  	[smem:$0x3FB2] =	sst s6  }
0xf: {  	[smem:$0x3FB3] =	sst s7  }
0x10: {  	[smem:$0x3FB4] =	sst s8  }
0x11: {  	[smem:$0x3FB5] =	sst s9;
	s0 =	simm.s32 @!p0 $0x0  }
0x12: {  	s1 =	sld [smem:$0x3F9B];
	s0 =	simm.s32 @p0 $0x1  }
0x13: {  	[smem:$0x3FB6] =	sst s0;
	s0 =	simm.s32 @!p1 $0x0  }
0x14: {  	s2 =	sld [smem:$0x3F9A];
	s0 =	simm.s32 @p1 $0x1  }
0x15: {  	[smem:$0x3FB7] =	sst s0;
	s0 =	simm.s32 @!p2 $0x0  }
0x16: {  	s3 =	sld [smem:$0x3FDB];
	s0 =	simm.s32 @p2 $0x1  }
0x17: {  	s4 =	simm.s32 $0x1BF5;
	[smem:$0x3FB9] =	sst s0  }
0x18: {  	s0 =	sld [smem:$0x3F9C];
	_ =	swait.ge [sflag:s4], $0x0  }
0x19: {  	s7 =	sld [smem:$0x3F9D]  }
0x1a: {  	s8 =	sadd.s32 $0xFFFFE003, lr  }
0x1b: {  	s9 =	sadd.s32 $0xFFFFFEF7, lr;
	s5 =	simm.s32 $0xFFFFFFFF;
	p2 =	slt.u32 s8, $0xFFFFF086  }
0x1c: {  	p1 =	slt.u32 s9, $0xF7A;
	s5 =	simm.s32 @!p2 $0x0  }
0x1d: {  	s5 =	simm.s32 @p1 $0x1;
	p0 =	seq.s32 s7, s2  }
0x1e: {  	s7 =	smul.u32 @!p0 $0xF7A, s2;
	p2 =	seq.s32 @!p0 s5, $0x0  }
0x1f: {  	s9 =	smul.u32 $0xF7A, s1;
	s8 =	simm.s32 @!p0 $0x1BF5;
	p2 =	por !p2, p0  }
0x20: {  	[sflag:s8] =	ssyncset.s32 @!p0 $0xFFFFF086;
	s6 =	sadd.s32 @!p0 s3, s7;
	s7 =	simm.s32 @!p0 $0x108  }
0x21: {  	s3 =	sadd.s32 s3, s9;
	s6 =	sadd.s32 @!p0 $0x88, s6;
	s7 =	simm.s32 @p2 $0x1082  }
0x22: {  	[simem:s7], [sflag:s8] =	dma.local @!p0 [hbm:s6], $0xF7A  }
0x23: {  	s9 =	sor.u32 $0xD0000000, s2;
	s6 =	simm.s32 $0x108;
	_ =	swait.ge @!p0 [sflag:s8], $0x0  }
0x24: {  	s3 =	sadd.s32 $0x88, s3;
	s6 =	simm.s32 @!p1 $0x1082;
	[sflag:s4] =	ssyncset.s32 $0xFFFFF086  }
0x25: {  	[simem:s6], [sflag:s4] =	dma.local [hbm:s3], $0xF7A  }
0x26: {  	[smem:$0x3F9D] =	sst s1;
	(tag) =	ssettag s2;
	_ =	strace s9  }
0x27: {  	s1 =	sld [smem:$0x3FAD]  }
0x28: {  	s2 =	sld [smem:$0x3FAE]  }
0x29: {  	s4 =	sld [smem:$0x3FB0]  }
0x2a: {  	p0 =	seq.s32 s5, $0x0;
	s5 =	sld [smem:$0x3FB1]  }
0x2b: {  	s6 =	sld [smem:$0x3FB2]  }
0x2c: {  	s7 =	sld [smem:$0x3FB3]  }
0x2d: {  	s3 =	simm.s32 $0x108;
	s8 =	sld [smem:$0x3FB4]  }
0x2e: {  	s3 =	simm.s32 @!p0 $0x1082;
	s9 =	sld [smem:$0x3FB5]  }
0x2f: {  	lr =	sadd.s32 s0, s3;
	s0 =	sld [smem:$0x3FAC]  }
0x30: {  	s3 =	sld [smem:$0x3FAF]  }
0x31: {  	[smem:$0x3FB8] =	sst s10  }
0x32: {  	s10 =	sld [smem:$0x3FB6];
	_ =	sdelay $0x3  }
0x33: {  	p0 =	seq.s32 s10, $0x1;
	s10 =	sld [smem:$0x3FB8];
	_ =	sdelay $0x3  }
0x34: {  	[smem:$0x3FB8] =	sst s10  }
0x35: {  	s10 =	sld [smem:$0x3FB7];
	_ =	sdelay $0x3  }
0x36: {  	p1 =	seq.s32 s10, $0x1;
	s10 =	sld [smem:$0x3FB8];
	_ =	sdelay $0x3  }
0x37: {  	[smem:$0x3FB8] =	sst s10  }
0x38: {  	s10 =	sld [smem:$0x3FB9]  }
0x39: {  	_ = 	snop;
	(pc) =	sbr.ind lr, $3  }
0x3a: {  	_ = 	snop  }
0x3b: {  	_ = 	snop  }
0x3c: {  	p2 =	seq.s32 s10, $0x1;
	s10 =	sld [smem:$0x3FB8]  }
0x3d: {  	_ =	shalt  }
0x3e: {  	_ =	shalt  }
0x3f: {  	_ =	shalt  }
0x40: {  	_ =	shalt  }
0x41: {  	_ =	shalt  }
0x42: {  	_ =	shalt  }
0x43: {  	_ =	shalt  }
0x44: {  	_ =	shalt  }
0x45: {  	_ =	shalt  }
0x46: {  	_ =	shalt  }
0x47: {  	_ =	shalt  }
0x48: {  	_ =	shalt  }
0x49: {  	_ =	shalt  }
0x4a: {  	_ =	shalt  }
0x4b: {  	_ =	shalt  }
0x4c: {  	_ =	shalt  }
0x4d: {  	_ =	shalt  }
0x4e: {  	_ =	shalt  }
0x4f: {  	_ =	shalt  }
0x50: {  	_ =	shalt  }
0x51: {  	_ =	shalt  }
0x52: {  	_ =	shalt  }
0x53: {  	_ =	shalt  }
0x54: {  	_ =	shalt  }
0x55: {  	_ =	shalt  }
0x56: {  	_ =	shalt  }
0x57: {  	_ =	shalt  }
0x58: {  	_ =	shalt  }
0x59: {  	_ =	shalt  }
0x5a: {  	_ =	shalt  }
0x5b: {  	_ =	shalt  }
0x5c: {  	_ =	shalt  }
0x5d: {  	_ =	shalt  }
0x5e: {  	_ =	shalt  }
0x5f: {  	_ =	shalt  }
0x60: {  	_ =	shalt  }
0x61: {  	_ =	shalt  }
0x62: {  	_ =	shalt  }
0x63: {  	_ =	shalt  }
0x64: {  	_ =	shalt  }
0x65: {  	_ =	shalt  }
0x66: {  	_ =	shalt  }
0x67: {  	_ =	shalt  }
0x68: {  	_ =	shalt  }
0x69: {  	_ =	shalt  }
0x6a: {  	_ =	shalt  }
0x6b: {  	_ =	shalt  }
0x6c: {  	_ =	shalt  }
0x6d: {  	_ =	shalt  }
0x6e: {  	_ =	shalt  }
0x6f: {  	_ =	shalt  }
0x70: {  	_ =	shalt  }
0x71: {  	_ =	shalt  }
0x72: {  	_ =	shalt  }
0x73: {  	_ =	shalt  }
0x74: {  	_ =	shalt  }
0x75: {  	_ =	shalt  }
0x76: {  	_ =	shalt  }
0x77: {  	_ =	shalt  }
0x78: {  	_ =	shalt  }
0x79: {  	_ =	shalt  }
0x7a: {  	_ =	shalt  }
0x7b: {  	_ =	shalt  }
0x7c: {  	_ =	shalt  }
0x7d: {  	_ =	shalt  }
0x7e: {  	_ =	shalt  }
0x7f: {  	_ =	shalt  }
0x80: {  	_ =	shalt  }
0x81: {  	_ =	shalt  }
0x82: {  	_ =	shalt  }
0x83: {  	_ =	shalt  }
0x84: {  	_ =	shalt  }
0x85: {  	_ =	shalt  }
0x86: {  	_ =	shalt  }
0x87: {  	_ =	shalt  }
.Lfunc_end0:
.L_simem_size_0:
called_computation.1_lowered:
.L_overlay_start_0:
0x88: {  	s2 =	sld [smem:$0x3FD9]  }
0x89: {  	s3 =	sld [smem:$0x3FFE];
	_ =	sdelay $0x1  }
0x8a: {  	s1 =	srdreg.scid  }
0x8b: {  	s0 =	sand.u32 $0x1, s1  }
0x8c: {  	s17 =	sshll.u32 s0, $0xA;
	s2 =	sadd.s32 s3, s2  }
0x8d: {  	s2 =	sadd.s32 s2, s17  }
0x8e: {  	[smem:$0x3FC4] =	sst s2  }
0x8f: {  	_ = 	snop  }
0x90: {  	s2 =	sld [smem:$0x3FD0];
	(tm) =	ssettm $0x1  }
0x91: {  	s18 =	sld [smem:$0x3FFB];
	_ =	sdelay $0x3  }
0x92: {  	_ =	strace s18  }
0x93: {  	s3 =	sld [smem:$0x3FFC];
	_ =	sdelay $0x3  }
0x94: {  	_ =	strace s3  }
0x95: {  	s3 =	sld [smem:$0x3FFD];
	_ =	sdelay $0x3  }
0x96: {  	_ =	strace s3  }
0x97: {  	_ =	strace $0x8FFFFFFF  }
0x98: {  	s19 =	sld [smem:$0x3FDB];
	_ =	sdelay $0x1  }
0x99: {  	s4 =	simm.s32 $_scs_section_size  }
0x9a: {  	s5 =	simm.s32 $_size__tile_overlayer_lowered;
	s6 =	simm.s32 $_tile_overlayer_lowered  }
0x9b: {  	s22 =	simm.s32 $0x1BFF;
	s21 =	sshll.u32 s6, $0x1;
	s3 =	sadd.s32 s4, s19  }
0x9c: {  	s7 =	simm.s32 $0x0;
	s20 =	sshll.u32 s5, $0x1;
	s5 =	sadd.s32 s21, s3  }
0x9d: {  	[timem:s7], [sflag:s22] =	dma.local [hbm:s5], s20  }
0x9e: {  	_ =	swait.ge [sflag:s22], s20  }
0x9f: {  	s4 =	ssub.s32 $0x0, s20;
	[sflag:s22] =	ssyncset.done $0x0  }
0xa0: {  	[sflag:s22] =	ssyncadd.s32 s4;
	_ =	sdelay $0x1  }
0xa1: {  	s23 =	simm.s32 $0x1B8B  }
0xa2: {  	_ =	swait.ge [sflag:s23], $0x1  }
0xa3: {  	[sflag:s23] =	ssyncset.done $0x0  }
0xa4: {  	s25 =	simm.s32 $0x1B8E;
	s24 =	sld [smem:$0x3FFE];
	[sflag:s23] =	ssyncadd.s32 $0xFFFFFFFF  }
0xa5: {  	s26 =	simm.s32 $execute0_lowered;
	[smem:$0x3FD2] =	sst s25  }
0xa6: {  	s5 =	sshll.u32 s26, $0x1;
	_ =	strace $0x80000049;
	[dreg:$0x1] =	wrdreg $0xFFFFFFFF  }
0xa7: {  	s28 =	simm.s32 $_size_execute0_lowered;
	s3 =	sadd.s32 s3, s5;
	[dreg:$0x0] =	wrdreg $0x0  }
0xa8: {  	s5 =	sshll.u32 s28, $0x1;
	[dreg:$0x2] =	wrdreg s3  }
0xa9: {  	[dreg:$0x3] =	wrdreg s5  }
0xaa: {  	[dreg:$0x4] =	wrdreg $0xC0  }
0xab: {  	_ =	task [dreg:s7], $0x5FFFF  }
0xac: {  	[dreg:$0x1] =	wrdreg $0xFFFFFFFF  }
0xad: {  	[dreg:$0x0] =	wrdreg $0x60  }
0xae: {  	[dreg:$0x2] =	wrdreg s2  }
0xaf: {  	[dreg:$0x3] =	wrdreg s24  }
0xb0: {  	[dreg:$0x4] =	wrdreg $0x88000  }
0xb1: {  	[dreg:$0x5] =	wrdreg $0x9  }
0xb2: {  	_ =	task.clear_ibuf [dreg:s7], $0x6FFFF;
	_ =	strace $0x90000049  }
0xb3: {  	s29 =	simm.s32 $0x9;
	_ =	strace $0x8000004B  }
0xb4: {  	_ =	swait.ge [sflag:s29], $0x1  }
0xb5: {  	[sflag:s29] =	ssyncadd.s32 $0xFFFFFFFF  }
0xb6: {  	_ =	strace $0x9000004B  }
0xb7: {  	_ =	sfence  }
0xb8: {  	s30 =	sld [smem:$0x0];
	_ =	sdelay $0x2  }
0xb9: {  	s31 =	sshll.u32 s1, $0xD;
	s1 =	sshrl.u32 s1, $0x2  }
0xba: {  	s3 =	sand.u32 $0x4000, s31;
	s1 =	sadd.s32 s1, s30  }
0xbb: {  	s0 =	sor.u32 s3, s0;
	s1 =	sshll.u32 s1, $0x11  }
0xbc: {  	s0 =	sor.u32 s1, s0  }
0xbd: {  	s0 =	sadd.s32 $0x8F2B, s0  }
0xbe: {  	[sflag:s0] =	ssyncadd.remote.s32 $0x1  }
0xbf: {  	_ =	sfence.sel $0xFFFF  }
0xc0: {  	[dreg:$0x0] =	wrdreg $0xFFFFFFFF;
	(pc) =	sbr.abs _section_cstart, $3  }
0xc1: {  	[dreg:$0x1] =	wrdreg $0xFFFFFFFF  }
0xc2: {  	_ =	task.clear_ibuf [dreg:s7], $0x2FFFF;
	_ =	strace $0x9FFFFFFF  }
0xc3: {  	(tm) =	ssettm $0x7FFFFFFF  }
tec
execute0_lowered:
.L_overlay_start_1:
0x0: {  	(tag) =	ssettag $0x1  }
0x1: {  	s2 =	rddreg [dreg:$0x0]  }
0x2: {  	s0 =	rddreg [dreg:$0x1]  }
0x3: {  	s3 =	rddreg [dreg:$0x2]  }
0x4: {  	s1 =	srdreg.scid;
	s9 =	stileid.u32;
	s4 =	simm.s32 $0x0  }
0x5: {  	s12 =	simm.s32 $0x3;
	s13 =	simm.s32 $0x400;
	s14 =	simm.s32 $0x80  }
0x6: {  	s15 =	simm.s32 $0x800;
	s16 =	simm.s32 $0x4800;
	s17 =	simm.s32 $0x1  }
0x7: {  	s18 =	simm.s32 $0x100;
	s19 =	simm.s32 $0x2;
	s20 =	simm.s32 $0x480  }
0x8: {  	s28 =	simm.s32 $0x300;
	s29 =	simm.s32 $0x680;
	s30 =	simm.s32 $0x380  }
0x9: {  	s31 =	simm.s32 $0x700;
	s1 =	sand.u32 $0x1, s1;
	s5 =	smul.u32 $0x98, s9  }
0xa: {  	s6 =	sshll.u32 s9, $0x3;
	s8 =	smul.u32 $0x13C00, s9;
	[smem:$0x7FF] =	sst s4  }
0xb: {  	s22 =	smul.u32 $0x4F000, s9;
	s23 =	sadd.s32 $0x15C00, s0;
	s9 =	sshll.u32 s9, $0x6  }
0xc: {  	s7 =	smul.u32 $0x13C000, s1;
	p0 =	seq.s32 s1, $0x0;
	s6 =	sor.u32 $0x980, s6  }
0xd: {  	_ =	strace $0x8000004A;
	[dreg:$0x4] =	wrdreg s23;
	s24 =	ssub.s32 $0x2, s1  }
0xe: {  	s23 =	simm.s32 $0x200;
	s6 =	smov.u32 @p0 s5;
	s25 =	sshrl.u32 s24, $0x1  }
0xf: {  	p0 =	sne.s32 s1, $0x0;
	s1 =	simm.s32 $0x0;
	s5 =	sshll.u32 s6, $0x4  }
0x10: {  	s21 =	sadd.s32 s8, s7;
	s7 =	sshrl.u32 s22, $0x2;
	s8 =	ssub.s32 s24, s25  }
0x11: {  	s22 =	simm.s32 $0x500;
	s24 =	simm.s32 $0x580;
	s25 =	simm.s32 $0x280  }
0x12: {  	s5 =	sadd.s32 s5, s0;
	s6 =	sshrl.u32 s21, $0x3;
	s10 =	sadd.s32 s7, s3  }
0x13: {  	s26 =	smax.u32 s8, $0x1;
	s21 =	simm.s32 $0x180;
	s0 =	sadd.s32 s6, s0  }
0x14: {  	s6 =	sor.u32 $0x1C03, s9;
	[dreg:$0x6] =	wrdreg s26;
	s7 =	sadd.s32 $0xBC00, s5  }
0x15: {  	s5 =	sadd.s32 $0x1C00, s5;
	s11 =	sshrl.u32 s10, $0x3;
	s0 =	sadd.s32 $0x18400, s0  }
0x16: {  	s26 =	simm.s32 $0x600;
	[dreg:$0x5] =	wrdreg s0;
	s0 =	simm.s32 $0x780  }
.LBB2_1:
0x17: {  	s8 =	rddreg [dreg:$0x4]  }
0x18: {  	[spmem:s11], [sflag:s6] =	dma.local [hbm:s8], $0x2780  }
0x19: {  	_ =	swait.ge [sflag:s12], $0x2780  }
0x1a: {  	[sflag:s12] =	ssyncset.done $0x0  }
0x1b: {  	s10 =	smov.u32 s5;
	[sflag:s12] =	ssyncadd.s32 $0xFFFFD880  }
0x1c: {  	s9 =	smov.u32 s7;
	s8 =	simm.s32 $0x0;
	[bflag:$0x0] =	sbarrier.arrive $0xFFFF  }
.LBB2_2:
0x1d: {  	[tilespmem:s4], [sflag:$0x3] =	stream.linear.gather [hbm4b:s10+s4], $0x400, $0x38;
	[tilespmem:$0x1C400] =	vst v63  }
0x1e: {  	_ =	swait.ge [sflag:s12], $0x400  }
0x1f: {  	[sflag:s12] =	ssyncset.done $0x0  }
0x20: {  	[sflag:s12] =	ssyncadd.s32 $0xFFFFFC00  }
0x21: {  	[tilespmem:s13], [sflag:$0x3] =	stream.linear.gather [hbm4b:s9+s4], $0x400, $0x38;
	[tilespmem:$0x1C400] =	vst v63  }
0x22: {  	_ =	swait.ge [sflag:s12], $0x400  }
0x23: {  	[sflag:s12] =	ssyncset.done $0x0  }
0x24: {  	[sflag:s12] =	ssyncadd.s32 $0xFFFFFC00  }
0x25: {  	[tilespmem:s15], [sflag:$0x1] =	stream.indirect.gather [hbm4b:s2+s14], $0x80, s4, s14, $0xb8;
	[tilespmem:$0x1C400] =	vst v63  }
0x26: {  	_ = 	snop  }
0x27: {  	[tilespmem:s16], [sflag:$0x2] =	stream.indirect.gather [hbm4b:s2+s14], $0x80, s14, s14, $0xb8;
	[tilespmem:$0x1C400] =	vst v63  }
0x28: {  	_ =	swait.ge [sflag:s17], $0x4000  }
0x29: {  	[sflag:s17] =	ssyncset.done $0x0  }
0x2a: {  	[sflag:s17] =	ssyncadd.s32 $0xFFFFC000  }
0x2b: {  	[spmem:s3] =	stream.indirect.scatter.add.f32 [tilespmem:s15], [sflag:$0x3], $0x80, s13, s14, $0xb8;
	[tilespmem:$0x1C400] =	vst v63  }
0x2c: {  	_ =	swait.ge [sflag:s12], $0x4000  }
0x2d: {  	[sflag:s12] =	ssyncset.done $0x0  }
0x2e: {  	[sflag:s12] =	ssyncadd.s32 $0xFFFFC000  }
0x2f: {  	[tilespmem:s15], [sflag:$0x1] =	stream.indirect.gather [hbm4b:s2+s14], $0x80, s18, s14, $0xb8;
	[tilespmem:$0x1C400] =	vst v63  }
0x30: {  	_ =	swait.ge [sflag:s19], $0x4000  }
0x31: {  	[sflag:s19] =	ssyncset.done $0x0  }
0x32: {  	[sflag:s19] =	ssyncadd.s32 $0xFFFFC000  }
0x33: {  	[spmem:s3] =	stream.indirect.scatter.add.f32 [tilespmem:s16], [sflag:$0x3], $0x80, s20, s14, $0xb8;
	[tilespmem:$0x1C400] =	vst v63  }
0x34: {  	_ =	swait.ge [sflag:s12], $0x4000  }
0x35: {  	[sflag:s12] =	ssyncset.done $0x0  }
0x36: {  	[sflag:s12] =	ssyncadd.s32 $0xFFFFC000  }
0x37: {  	[tilespmem:s16], [sflag:$0x2] =	stream.indirect.gather [hbm4b:s2+s14], $0x80, s21, s14, $0xb8;
	[tilespmem:$0x1C400] =	vst v63  }
0x38: {  	_ =	swait.ge [sflag:s17], $0x4000  }
0x39: {  	[sflag:s17] =	ssyncset.done $0x0  }
0x3a: {  	[sflag:s17] =	ssyncadd.s32 $0xFFFFC000  }
0x3b: {  	[spmem:s3] =	stream.indirect.scatter.add.f32 [tilespmem:s15], [sflag:$0x3], $0x80, s22, s14, $0xb8;
	[tilespmem:$0x1C400] =	vst v63  }
0x3c: {  	_ =	swait.ge [sflag:s12], $0x4000  }
0x3d: {  	[sflag:s12] =	ssyncset.done $0x0  }
0x3e: {  	[sflag:s12] =	ssyncadd.s32 $0xFFFFC000  }
0x3f: {  	[tilespmem:s15], [sflag:$0x1] =	stream.indirect.gather [hbm4b:s2+s14], $0x80, s23, s14, $0xb8;
	[tilespmem:$0x1C400] =	vst v63  }
0x40: {  	_ =	swait.ge [sflag:s19], $0x4000  }
0x41: {  	[sflag:s19] =	ssyncset.done $0x0  }
0x42: {  	[sflag:s19] =	ssyncadd.s32 $0xFFFFC000  }
0x43: {  	[spmem:s3] =	stream.indirect.scatter.add.f32 [tilespmem:s16], [sflag:$0x3], $0x80, s24, s14, $0xb8;
	[tilespmem:$0x1C400] =	vst v63  }
0x44: {  	_ =	swait.ge [sflag:s12], $0x4000  }
0x45: {  	[sflag:s12] =	ssyncset.done $0x0  }
0x46: {  	[sflag:s12] =	ssyncadd.s32 $0xFFFFC000  }
0x47: {  	[tilespmem:s16], [sflag:$0x2] =	stream.indirect.gather [hbm4b:s2+s14], $0x80, s25, s14, $0xb8;
	[tilespmem:$0x1C400] =	vst v63  }
0x48: {  	_ =	swait.ge [sflag:s17], $0x4000  }
0x49: {  	[sflag:s17] =	ssyncset.done $0x0  }
0x4a: {  	[sflag:s17] =	ssyncadd.s32 $0xFFFFC000  }
0x4b: {  	[spmem:s3] =	stream.indirect.scatter.add.f32 [tilespmem:s15], [sflag:$0x3], $0x80, s26, s14, $0xb8;
	[tilespmem:$0x1C400] =	vst v63  }
0x4c: {  	_ =	swait.ge [sflag:s12], $0x4000  }
0x4d: {  	[sflag:s12] =	ssyncset.done $0x0  }
0x4e: {  	[sflag:s12] =	ssyncadd.s32 $0xFFFFC000  }
0x4f: {  	[tilespmem:s15], [sflag:$0x1] =	stream.indirect.gather [hbm4b:s2+s14], $0x80, s28, s14, $0xb8;
	[tilespmem:$0x1C400] =	vst v63  }
0x50: {  	_ =	swait.ge [sflag:s19], $0x4000  }
0x51: {  	[sflag:s19] =	ssyncset.done $0x0  }
0x52: {  	[sflag:s19] =	ssyncadd.s32 $0xFFFFC000  }
0x53: {  	[spmem:s3] =	stream.indirect.scatter.add.f32 [tilespmem:s16], [sflag:$0x3], $0x80, s29, s14, $0xb8;
	[tilespmem:$0x1C400] =	vst v63  }
0x54: {  	_ =	swait.ge [sflag:s12], $0x4000  }
0x55: {  	[sflag:s12] =	ssyncset.done $0x0  }
0x56: {  	[sflag:s12] =	ssyncadd.s32 $0xFFFFC000  }
0x57: {  	[tilespmem:s16], [sflag:$0x2] =	stream.indirect.gather [hbm4b:s2+s14], $0x80, s30, s14, $0xb8;
	[tilespmem:$0x1C400] =	vst v63  }
0x58: {  	_ =	swait.ge [sflag:s17], $0x4000  }
0x59: {  	[sflag:s17] =	ssyncset.done $0x0  }
0x5a: {  	[sflag:s17] =	ssyncadd.s32 $0xFFFFC000  }
0x5b: {  	[spmem:s3] =	stream.indirect.scatter.add.f32 [tilespmem:s15], [sflag:$0x3], $0x80, s31, s14, $0xb8;
	[tilespmem:$0x1C400] =	vst v63  }
0x5c: {  	_ =	swait.ge [sflag:s12], $0x4000  }
0x5d: {  	[sflag:s12] =	ssyncset.done $0x0  }
0x5e: {  	[sflag:s12] =	ssyncadd.s32 $0xFFFFC000  }
0x5f: {  	p1 =	slt.u32 @!p0 s8, $0x12;
	_ =	swait.ge [sflag:s19], $0x4000  }
0x60: {  	p1 =	por p0, !p1;
	[sflag:s19] =	ssyncset.done $0x0  }
.Ltmp0:
0x61: {  	[sflag:s19] =	ssyncadd.s32 $0xFFFFC000;
	(pc) =	sbr.rel @!p1 .LBB2_2-.Ltmp0, $4  }
0x62: {  	[spmem:s3] =	stream.indirect.scatter.add.f32 [tilespmem:s16], [sflag:$0x3], $0x80, s0, s14, $0xb8;
	[tilespmem:$0x1C400] =	vst v63  }
0x63: {  	_ =	swait.ge [sflag:s12], $0x4000  }
0x64: {  	s8 =	sadd.s32 $0x1, s8;
	[sflag:s12] =	ssyncset.done $0x0  }
0x65: {  	s10 =	sadd.s32 $0x80, s10;
	s9 =	sadd.s32 $0x80, s9;
	[sflag:s12] =	ssyncadd.s32 $0xFFFFC000  }
0x66: {  	[bflag:$0x0] =	sbarrier.arrive $0xFFFF  }
0x67: {  	s8 =	rddreg [dreg:$0x5]  }
0x68: {  	[hbm:s8], [sflag:s6] =	dma.local [spmem:s11], $0x2780  }
0x69: {  	_ =	swait.ge [sflag:s12], $0x2780  }
0x6a: {  	s1 =	sadd.s32 $0x1, s1;
	s10 =	rddreg [dreg:$0x6]  }
0x6b: {  	p1 =	sne.s32 s1, s10  }
.Ltmp1:
0x6c: {  	_ = 	snop;
	(pc) =	sbr.rel @p1 .LBB2_1-.Ltmp1, $3  }
0x6d: {  	_ =	sdelay $0x1  }
0x6e: {  	[sflag:s12] =	ssyncset.done $0x0  }
0x6f: {  	[sflag:s12] =	ssyncadd.s32 $0xFFFFD880  }
0x70: {  	_ =	sfence.sel $0x180000  }
0x71: {  	[bflag:$0x0] =	sbarrier.arrive $0xFFFF  }
0x72: {  	_ =	strace $0x9000004A  }
0x73: {  	s0 =	stileid.u32;
	[bflag:$0x2] =	sbarrier.arrive $0xFFFF  }
0x74: {  	p0 =	sne.s32 s0, $0x0;
	s0 =	rddreg [dreg:$0x3]  }
0x75: {  	s0 =	sadd.s32 @!p0 $0x100000, s0  }
0x76: {  	[sflag:s0] =	ssyncadd.tile.s32 @!p0 $0x1;
	_ =	shalt  }
.Lfunc_end2:
_tile_overlayer_lowered:
.L_overlay_start_2:
0x77: {  	(tag) =	ssettag $0x2  }
0x78: {  	s0 =	rddreg [dreg:$0x0];
	s2 =	stileid.u32  }
0x79: {  	s1 =	rddreg [dreg:$0x1];
	p0 =	sne.s32 s2, $0x0  }
0x7a: {  	s3 =	rddreg [dreg:$0x2];
	[bflag:$0x3] =	sbarrier.arrive $0xFFFF;
	s2 =	simm.s32 @!p0 $0x1C03  }
0x7b: {  	[timem:s3], [sflag:s2] =	dma.local @!p0 [hbm:s0], s1  }
0x7c: {  	s0 =	simm.s32 @!p0 $0x3  }
0x7d: {  	_ =	swait.ge @!p0 [sflag:s0], s1  }
0x7e: {  	s1 =	ssub.s32 @!p0 $0x0, s1;
	[sflag:s0] =	ssyncset.done @!p0 $0x0  }
0x7f: {  	[sflag:s0] =	ssyncadd.s32 @!p0 s1  }
0x80: {  	[bflag:$0x3] =	sbarrier.arrive $0xFFFF  }
0x81: {  	_ =	shalt  }

</sc_bundles>
